<compile_context>
chip_gen: v7x
topology: tpu7x:2x2x1
jax: 0.10.2.dev20260603
libtpu: 0.0.44.dev20260713+nightly
codegen_flags: <defaults>
</compile_context>

<pallas_src>
import functools

import jax
import jax.numpy as jnp
from jax import lax
from jax.experimental import pallas as pl
from jax.experimental.pallas import tpu as pltpu
from jax.experimental.pallas import tpu_sc as plsc

QUES = 2048
SEQH = 2048
T = 8192
K = 32

GA = 8
AROWS = T // GA
GW = 16
WROWS = (3 * SEQH) // GW

NSUB = 16
RPS = T // NSUB
NEG = -3.0e38


def _alpha_body(q_ref, ques_ref, alpha_ref):
    alpha_ref[...] = jnp.dot(ques_ref[...], q_ref[...],
                             preferred_element_type=jnp.float32)


def _matvec_body(sel_ref, q_ref, h_ref, wih_ref, whh_ref, gi_ref, gh_ref):
    gi_ref[...] = jnp.dot(wih_ref[...], q_ref[...],
                          preferred_element_type=jnp.float32)
    gh_ref[...] = jnp.dot(whh_ref[...], h_ref[...],
                          preferred_element_type=jnp.float32)


def _sc_topk_body(alpha, idx_out, val_out,
                  av, lvv, liv, cvv, civ, sv_sh, si_sh):
    cid = lax.axis_index("c")
    sid = lax.axis_index("s")
    lane = lax.broadcasted_iota(jnp.int32, (16,), 0)
    m0 = lane == 0
    zf = jnp.zeros((16,), jnp.float32)
    zi = jnp.zeros((16,), jnp.int32)

    @pl.when(cid == 0)
    def _():
        base = pl.multiple_of(sid * RPS, RPS)
        pltpu.sync_copy(alpha.at[pl.ds(base, RPS)], av)

        def fold(t, carry):
            vb, ib = carry
            v = av[pl.ds(t * 16, 16)]
            gidx = base + t * 16 + lane
            better = v > vb
            return jnp.where(better, v, vb), jnp.where(better, gidx, ib)

        def ex(p, _):
            vb, ib = lax.fori_loop(1, RPS // 16, fold,
                                   (av[pl.ds(0, 16)], base + lane))
            mval = jnp.max(vb)
            midx = jnp.max(jnp.where(vb == mval, ib, jnp.int32(-1)))
            pv = zi + p
            plsc.store_scatter(lvv, [pv], zf + mval, mask=m0)
            plsc.store_scatter(liv, [pv], zi + midx, mask=m0)
            plsc.store_scatter(av, [zi + (midx - base)], zf + NEG, mask=m0)
            return 0

        lax.fori_loop(0, K, ex, 0)
        pltpu.sync_copy(lvv, sv_sh.at[pl.ds(sid * K, K)])
        pltpu.sync_copy(liv, si_sh.at[pl.ds(sid * K, K)])
        plsc.subcore_barrier()

        @pl.when(sid == 0)
        def _():
            pltpu.sync_copy(sv_sh, cvv)
            pltpu.sync_copy(si_sh, civ)

            def gfold(t, carry):
                vb, ib = carry
                v = cvv[pl.ds(t * 16, 16)]
                slot = t * 16 + lane
                better = v > vb
                return jnp.where(better, v, vb), jnp.where(better, slot, ib)

            def gex(p, _):
                vb, ib = lax.fori_loop(1, NSUB * K // 16, gfold,
                                       (cvv[pl.ds(0, 16)], lane))
                mval = jnp.max(vb)
                mslot = jnp.max(jnp.where(vb == mval, ib, jnp.int32(-1)))
                slotv = zi + mslot
                orig = plsc.load_gather(civ, [slotv])
                pv = zi + p
                plsc.store_scatter(lvv, [pv], zf + mval, mask=m0)
                plsc.store_scatter(liv, [pv], orig, mask=m0)
                plsc.store_scatter(cvv, [slotv], zf + NEG, mask=m0)
                return 0

            lax.fori_loop(0, K, gex, 0)
            pltpu.sync_copy(liv, idx_out)
            pltpu.sync_copy(lvv, val_out)


def _sc_topk(alpha):
    f32 = jnp.float32
    i32 = jnp.int32
    mesh = plsc.VectorSubcoreMesh(core_axis_name="c", subcore_axis_name="s")
    return pl.kernel(
        _sc_topk_body,
        mesh=mesh,
        compiler_params=pltpu.CompilerParams(needs_layout_passes=False,
                                             use_tc_tiling_on_sc=False),
        out_type=[
            jax.ShapeDtypeStruct((K,), i32),
            jax.ShapeDtypeStruct((K,), f32),
        ],
        scratch_types=[
            pltpu.VMEM((RPS,), f32),
            pltpu.VMEM((K,), f32),
            pltpu.VMEM((K,), i32),
            pltpu.VMEM((NSUB * K,), f32),
            pltpu.VMEM((NSUB * K,), i32),
            pltpu.VMEM_SHARED((NSUB * K,), f32),
            pltpu.VMEM_SHARED((NSUB * K,), i32),
        ],
    )(alpha)


def _final_body(idx_ref, val_ref, row_ref, q_ref, ws_ref, bs_ref,
                gi_ref, gh_ref, h_ref, bih_ref, bhh_ref,
                pred_ref, hnew_ref, acc_ref, w_ref):
    i = pl.program_id(0)

    @pl.when(i == 0)
    def _():
        v = val_ref[...]
        e = jnp.exp(v - jnp.max(v))
        w_ref[...] = e / jnp.sum(e)
        acc_ref[...] = jnp.zeros_like(acc_ref)

    kiota = lax.broadcasted_iota(jnp.int32, (1, K), 1)
    wi = jnp.sum(jnp.where(kiota == i, w_ref[...], 0.0))
    acc_ref[...] += wi * row_ref[0]

    @pl.when(i == K - 1)
    def _():
        ws = ws_ref[...]
        pred = (jnp.sum(ws[0:1] * q_ref[...])
                + jnp.sum(ws[1:2] * acc_ref[...]) + bs_ref[0, 0])
        pred_ref[...] = pred[None, None]
        gi = gi_ref[...] + bih_ref[...]
        gh = gh_ref[...] + bhh_ref[...]
        h = h_ref[...]
        r = jax.nn.sigmoid(gi[0:16] + gh[0:16])
        z = jax.nn.sigmoid(gi[16:32] + gh[16:32])
        n = jnp.tanh(gi[32:48] + r * gh[32:48])
        hnew_ref[...] = (1.0 - z) * n + z * h


def kernel(question, score, questions, hs, Ws, bs, W_ih, W_hh, b_ih, b_hh):
    f32 = jnp.float32
    q2 = question.reshape(QUES, 1)
    h_prev = hs[T - 1, 0]
    h2 = h_prev.reshape(SEQH, 1)
    sel = (score[0] < 0.5).astype(jnp.int32).reshape(1)

    alpha = pl.pallas_call(
        _alpha_body,
        grid=(GA,),
        in_specs=[
            pl.BlockSpec((QUES, 1), lambda i: (0, 0)),
            pl.BlockSpec((AROWS, QUES), lambda i: (i, 0)),
        ],
        out_specs=pl.BlockSpec((AROWS, 1), lambda i: (i, 0)),
        out_shape=jax.ShapeDtypeStruct((T, 1), f32),
    )(q2, questions)

    grid_spec = pltpu.PrefetchScalarGridSpec(
        num_scalar_prefetch=1,
        grid=(GW,),
        in_specs=[
            pl.BlockSpec((QUES, 1), lambda i, s: (0, 0)),
            pl.BlockSpec((SEQH, 1), lambda i, s: (0, 0)),
            pl.BlockSpec((WROWS, QUES), lambda i, s: (i, s[0])),
            pl.BlockSpec((WROWS, SEQH), lambda i, s: (i, 0)),
        ],
        out_specs=[
            pl.BlockSpec((WROWS, 1), lambda i, s: (i, 0)),
            pl.BlockSpec((WROWS, 1), lambda i, s: (i, 0)),
        ],
    )
    gi, gh = pl.pallas_call(
        _matvec_body,
        grid_spec=grid_spec,
        out_shape=[
            jax.ShapeDtypeStruct((3 * SEQH, 1), f32),
            jax.ShapeDtypeStruct((3 * SEQH, 1), f32),
        ],
    )(sel, q2, h2, W_ih, W_hh)

    idx, vals = _sc_topk(alpha.reshape(T))

    pred, h_new = pl.pallas_call(
        _final_body,
        grid_spec=pltpu.PrefetchScalarGridSpec(
            num_scalar_prefetch=1,
            grid=(K,),
            in_specs=[
                pl.BlockSpec((1, K), lambda i, s: (0, 0)),
                pl.BlockSpec((1, 1, SEQH), lambda i, s: (s[i], 0, 0)),
                pl.BlockSpec((1, QUES), lambda i, s: (0, 0)),
                pl.BlockSpec((2, QUES), lambda i, s: (0, 0)),
                pl.BlockSpec((1, 1), lambda i, s: (0, 0)),
                pl.BlockSpec((48, 128), lambda i, s: (0, 0)),
                pl.BlockSpec((48, 128), lambda i, s: (0, 0)),
                pl.BlockSpec((16, 128), lambda i, s: (0, 0)),
                pl.BlockSpec((48, 128), lambda i, s: (0, 0)),
                pl.BlockSpec((48, 128), lambda i, s: (0, 0)),
            ],
            out_specs=[
                pl.BlockSpec((1, 1), lambda i, s: (0, 0)),
                pl.BlockSpec((16, 128), lambda i, s: (0, 0)),
            ],
            scratch_shapes=[
                pltpu.VMEM((1, SEQH), f32),
                pltpu.VMEM((1, K), f32),
            ],
        ),
        out_shape=[
            jax.ShapeDtypeStruct((1, 1), f32),
            jax.ShapeDtypeStruct((16, 128), f32),
        ],
    )(
        idx, vals.reshape(1, K), hs,
        question.reshape(1, QUES), Ws.reshape(2, QUES), bs.reshape(1, 1),
        gi.reshape(48, 128), gh.reshape(48, 128), h_prev.reshape(16, 128),
        b_ih.reshape(48, 128), b_hh.reshape(48, 128),
    )
    return (pred.reshape(1), h_new.reshape(1, 1, SEQH))

# --- scband reference (transcript-rebuilt; emitter-appended) ---
"""Pipeline reference for scband-eernn-979252543887 (READ-ONLY COPY).

The authoritative reference and input builder live on the scoring server;
editing this copy changes nothing except your own understanding.
"""

import jax, jax.numpy as jnp
import numpy as np

QUES = 2048
SEQH = 2048
T = 8192
ATTN_K = 32


def setup_inputs(seed: int = 0) -> dict:
    key = jax.random.key(seed)
    ks = jax.random.split(key, 10)
    question = jax.random.normal(ks[0], (QUES,), dtype=jnp.float32)
    score = jax.random.uniform(ks[1], (1,), dtype=jnp.float32)
    questions = jax.random.normal(ks[2], (T, QUES), dtype=jnp.float32) * 0.1
    hs = jax.random.normal(ks[3], (T, 1, SEQH), dtype=jnp.float32) * 0.1
    Ws = jax.random.normal(ks[4], (1, QUES + SEQH), dtype=jnp.float32) * 0.02
    bs = jnp.zeros((1,), dtype=jnp.float32)
    W_ih = jax.random.normal(ks[5], (3 * SEQH, 2 * QUES), dtype=jnp.float32) * 0.02
    W_hh = jax.random.normal(ks[6], (3 * SEQH, SEQH), dtype=jnp.float32) * 0.02
    b_ih = jnp.zeros((3 * SEQH,), dtype=jnp.float32)
    b_hh = jnp.zeros((3 * SEQH,), dtype=jnp.float32)
    return {
        "question": question,
        "score": score,
        "questions": questions,
        "hs": hs,
        "Ws": Ws,
        "bs": bs,
        "W_ih": W_ih,
        "W_hh": W_hh,
        "b_ih": b_ih,
        "b_hh": b_hh,
    }


def reference(question, score, questions, hs, Ws, bs, W_ih, W_hh, b_ih, b_hh):
    # EERNNSeqNet.forward with a populated hidden=(questions, hs) history.
    h_prev = hs[-1, 0]  # last GRU hidden state, [SEQH]
    # sparse top-k attention over past question embeddings
    alpha = questions @ question  # [T]
    k = min(questions.shape[0], ATTN_K)
    vals, idx = jax.lax.top_k(alpha, k)  # unsorted-equivalent top-k scores
    a = jax.nn.softmax(vals)  # [k]
    hs_flat = hs.reshape(-1, hs.shape[-1])  # [T, SEQH]
    attn_h = a @ hs_flat[idx]  # gather selected hidden states, weighted sum -> [SEQH]
    # score prediction head
    pred_v = jnp.concatenate([question, attn_h])  # [QUES + SEQH]
    pred = Ws @ pred_v + bs  # [1]
    # gated input construction: question * (score >= 0.5) || question * (score < 0.5)
    m = (score >= 0.5).astype(question.dtype)  # [1], broadcasts
    x = jnp.concatenate([question * m, question * (1.0 - m)])  # [2*QUES]
    # single GRU step (PyTorch gate ordering r, z, n)
    gi = W_ih @ x + b_ih
    gh = W_hh @ h_prev + b_hh
    i_r, i_z, i_n = jnp.split(gi, 3)
    h_r, h_z, h_n = jnp.split(gh, 3)
    r = jax.nn.sigmoid(i_r + h_r)
    z = jax.nn.sigmoid(i_z + h_z)
    n = jnp.tanh(i_n + r * h_n)
    h_new = (1.0 - z) * n + z * h_prev
    return (pred, h_new.reshape(1, 1, SEQH))

if __name__ == "__main__":
    import jax
    _d = setup_inputs()
    print(jax.jit(kernel)(*tuple(_d.values())))

</pallas_src>

<mosaic_0001>
#map = affine_map<(d0, d1) -> (0)>
module attributes {stable_mosaic.version = 14 : i64} {
  func.func @_sc_topk_body(%arg0: i32, %arg1: i32, %arg2: memref<8192xf32, #tpu.memory_space<hbm>>, %arg3: memref<32xi32, #tpu.memory_space<hbm>>, %arg4: memref<32xf32, #tpu.memory_space<hbm>>, %arg5: memref<512xf32, #tpu.memory_space<vmem>>, %arg6: memref<32xf32, #tpu.memory_space<vmem>>, %arg7: memref<32xi32, #tpu.memory_space<vmem>>, %arg8: memref<512xf32, #tpu.memory_space<vmem>>, %arg9: memref<512xi32, #tpu.memory_space<vmem>>, %arg10: memref<512xf32, #tpu.memory_space<vmem_shared>>, %arg11: memref<512xi32, #tpu.memory_space<vmem_shared>>) attributes {dimension_semantics = [#tpu.dimension_semantics<core_parallel>, #tpu.dimension_semantics<subcore_parallel>], iteration_bounds = array<i64: 2, 16>, scalar_prefetch = 0 : i64, scratch_operands = 7 : i64, tpu.core_type = #tpu.core_type<sc_vector_subcore>, window_params = [{transform_indices = #map}, {transform_indices = #map}, {transform_indices = #map}]} {
    %iota3A = tpu.iota {dimensions = array<i32: 0>} : vector<16xi32>
    %eq3A = arith.constant 0 : i32
    %eq3A_0 = vector.broadcast %eq3A : i32 to vector<16xi32>
    %eq3A_1 = arith.cmpi eq, %iota3A, %eq3A_0 : vector<16xi32>
    %broadcast_in_dim3A = arith.constant 0.000000e+00 : f32
    %broadcast_in_dim3A_2 = vector.broadcast %broadcast_in_dim3A : f32 to vector<16xf32>
    %broadcast_in_dim3A_3 = arith.constant 0 : i32
    %broadcast_in_dim3A_4 = vector.broadcast %broadcast_in_dim3A_3 : i32 to vector<16xi32>
    %eq3A_5 = arith.constant 0 : i32
    %eq3A_6 = arith.cmpi eq, %arg0, %eq3A_5 : i32
    %convert_element_type3A = arith.extui %eq3A_6 : i1 to i32
    %cond3A = arith.constant 0 : i32
    %cond3A_7 = arith.cmpi ne, %convert_element_type3A, %cond3A : i32
    scf.if %cond3A_7 {
      %mul3A = arith.constant 512 : i32
      %mul3A_8 = arith.muli %arg1, %mul3A : i32
      %multiple_of3A = tpu.assume_multiple %mul3A_8, 512 : i32
      "tpu.region"() ({
        %run_scoped3A = tpu.sem_alloc : memref<!tpu.dma_semaphore, #tpu.memory_space<semaphore_mem>>
        %dma_start3A = tpu.memref_slice %arg2[%multiple_of3A] : memref<8192xf32, #tpu.memory_space<hbm>> -> memref<512xf32, #tpu.memory_space<hbm>>
        %dma_start3A_24 = tpu.memref_slice %arg2[%multiple_of3A] : memref<8192xf32, #tpu.memory_space<hbm>> -> memref<512xf32, #tpu.memory_space<hbm>>
        tpu.enqueue_dma source(%dma_start3A_24 : memref<512xf32, #tpu.memory_space<hbm>>) target(%arg5 : memref<512xf32, #tpu.memory_space<vmem>>) target_semaphore(%run_scoped3A : memref<!tpu.dma_semaphore, #tpu.memory_space<semaphore_mem>>)
        %dma_wait3A = tpu.memref_slice %arg2[%multiple_of3A] : memref<8192xf32, #tpu.memory_space<hbm>> -> memref<512xf32, #tpu.memory_space<hbm>>
        %dma_wait3A_25 = tpu.memref_slice %arg2[%multiple_of3A] : memref<8192xf32, #tpu.memory_space<hbm>> -> memref<512xf32, #tpu.memory_space<hbm>>
        tpu.wait_dma2 semaphore(%run_scoped3A : memref<!tpu.dma_semaphore, #tpu.memory_space<semaphore_mem>>) src(%dma_wait3A_25 : memref<512xf32, #tpu.memory_space<hbm>>) dst(%arg5 : memref<512xf32, #tpu.memory_space<vmem>>)
        tpu.yield
      }) : () -> ()
      %scan3A = arith.constant 0 : i32
      %scan3A_9 = arith.constant 0 : i32
      %scan3A_10 = arith.constant 32 : i32
      %scan3A_11 = arith.addi %scan3A_9, %scan3A_10 : i32
      %scan3A_12 = arith.constant 1 : i32
      %scan3A_13 = scf.for %scan3A_24 = %scan3A_9 to %scan3A_11 step %scan3A_12 iter_args(%scan3A_25 = %scan3A) -> (i32)  : i32 {
        %get3A = arith.constant 0 : index
        %get3A_26 = tpu.vector_load %arg5[%get3A] {strides = array<i32>} : memref<512xf32, #tpu.memory_space<vmem>>, vector<16xf32>,
        %add3A = vector.broadcast %multiple_of3A : i32 to vector<16xi32>
        %add3A_27 = arith.addi %add3A, %iota3A : vector<16xi32>
        %scan3A_28 = arith.constant 1 : i32
        %scan3A_29 = arith.constant 31 : i32
        %scan3A_30 = arith.addi %scan3A_28, %scan3A_29 : i32
        %scan3A_31 = arith.constant 1 : i32
        %scan3A_32:2 = scf.for %scan3A_60 = %scan3A_28 to %scan3A_30 step %scan3A_31 iter_args(%scan3A_61 = %get3A_26, %scan3A_62 = %add3A_27) -> (vector<16xf32>, vector<16xi32>)  : i32 {
          %mul3A_63 = arith.constant 16 : i32
          %mul3A_64 = arith.muli %scan3A_60, %mul3A_63 : i32
          %get3A_65 = arith.index_cast %mul3A_64 : i32 to index
          %get3A_66 = tpu.vector_load %arg5[%get3A_65] {strides = array<i32>} : memref<512xf32, #tpu.memory_space<vmem>>, vector<16xf32>,
          %mul3A_67 = arith.constant 16 : i32
          %mul3A_68 = arith.muli %scan3A_60, %mul3A_67 : i32
          %add3A_69 = arith.addi %multiple_of3A, %mul3A_68 : i32
          %add3A_70 = vector.broadcast %add3A_69 : i32 to vector<16xi32>
          %add3A_71 = arith.addi %add3A_70, %iota3A : vector<16xi32>
          %gt3A = arith.cmpf ogt, %get3A_66, %scan3A_61 : vector<16xf32>
          %select_n3A_72 = arith.select %gt3A, %get3A_66, %scan3A_61 : vector<16xi1>, vector<16xf32>
          %select_n3A_73 = arith.select %gt3A, %add3A_71, %scan3A_62 : vector<16xi1>, vector<16xi32>
          scf.yield %select_n3A_72, %select_n3A_73 : vector<16xf32>, vector<16xi32>
        }
        %scan3A_33 = arith.constant 31 : i32
        %reduce_max3A = arith.constant true
        %reduce_max3A_34 = vector.broadcast %reduce_max3A : i1 to vector<16xi1>
        %reduce_max3A_35 = tpu.scan <max>, %scan3A_32#0 masked %reduce_max3A_34 : vector<16xf32>, vector<16xi1> -> vector<16xf32>
        %reduce_max3A_36 = vector.extract %reduce_max3A_35[15] : f32 from vector<16xf32>
        %eq3A_37 = vector.broadcast %reduce_max3A_36 : f32 to vector<16xf32>
        %eq3A_38 = arith.cmpf oeq, %scan3A_32#0, %eq3A_37 : vector<16xf32>
        %jit3A = arith.constant -1 : i32
        %broadcast_in_dim3A_39 = vector.broadcast %jit3A : i32 to vector<16xi32>
        %select_n3A = arith.select %eq3A_38, %scan3A_32#1, %broadcast_in_dim3A_39 : vector<16xi1>, vector<16xi32>
        %reduce_max3A_40 = arith.constant true
        %reduce_max3A_41 = vector.broadcast %reduce_max3A_40 : i1 to vector<16xi1>
        %reduce_max3A_42 = arith.constant -2147483648 : i32
        %reduce_max3A_43 = vector.broadcast %reduce_max3A_42 : i32 to vector<16xi32>
        %reduce_max3A_44 = arith.xori %select_n3A, %reduce_max3A_43 : vector<16xi32>
        %reduce_max3A_45 = tpu.scan <max>, %reduce_max3A_44 masked %reduce_max3A_41 : vector<16xi32>, vector<16xi1> -> vector<16xi32>
        %reduce_max3A_46 = arith.xori %reduce_max3A_45, %reduce_max3A_43 : vector<16xi32>
        %reduce_max3A_47 = vector.extract %reduce_max3A_46[15] : i32 from vector<16xi32>
        %add3A_48 = vector.broadcast %scan3A_24 : i32 to vector<16xi32>
        %add3A_49 = arith.addi %broadcast_in_dim3A_4, %add3A_48 : vector<16xi32>
        %add3A_50 = vector.broadcast %reduce_max3A_36 : f32 to vector<16xf32>
        %add3A_51 = arith.addf %broadcast_in_dim3A_2, %add3A_50 : vector<16xf32>
        tpu.vector_store_idx %arg6[%add3A_49], %add3A_51 masked %eq3A_1 : memref<32xf32, #tpu.memory_space<vmem>>[vector<16xi32>], vector<16xf32>, vector<16xi1>
        %add3A_52 = vector.broadcast %reduce_max3A_47 : i32 to vector<16xi32>
        %add3A_53 = arith.addi %broadcast_in_dim3A_4, %add3A_52 : vector<16xi32>
        tpu.vector_store_idx %arg7[%add3A_49], %add3A_53 masked %eq3A_1 : memref<32xi32, #tpu.memory_space<vmem>>[vector<16xi32>], vector<16xi32>, vector<16xi1>
        %sub3A = arith.subi %reduce_max3A_47, %multiple_of3A : i32
        %add3A_54 = vector.broadcast %sub3A : i32 to vector<16xi32>
        %add3A_55 = arith.addi %broadcast_in_dim3A_4, %add3A_54 : vector<16xi32>
        %add3A_56 = arith.constant -3.000000e+38 : f32
        %add3A_57 = vector.broadcast %add3A_56 : f32 to vector<16xf32>
        %add3A_58 = arith.addf %broadcast_in_dim3A_2, %add3A_57 : vector<16xf32>
        tpu.vector_store_idx %arg5[%add3A_55], %add3A_58 masked %eq3A_1 : memref<512xf32, #tpu.memory_space<vmem>>[vector<16xi32>], vector<16xf32>, vector<16xi1>
        %scan3A_59 = arith.constant 0 : i32
        scf.yield %scan3A_59 : i32
      }
      %scan3A_14 = arith.constant 32 : i32
      %mul3A_15 = arith.constant 32 : i32
      %mul3A_16 = arith.muli %arg1, %mul3A_15 : i32
      "tpu.region"() ({
        %run_scoped3A = tpu.sem_alloc : memref<!tpu.dma_semaphore, #tpu.memory_space<semaphore_mem>>
        %dma_start3A = tpu.memref_slice %arg10[%mul3A_16] : memref<512xf32, #tpu.memory_space<vmem_shared>> -> memref<32xf32, #tpu.memory_space<vmem_shared>>
        %dma_start3A_24 = tpu.memref_slice %arg10[%mul3A_16] : memref<512xf32, #tpu.memory_space<vmem_shared>> -> memref<32xf32, #tpu.memory_space<vmem_shared>>
        tpu.enqueue_dma source(%arg6 : memref<32xf32, #tpu.memory_space<vmem>>) target(%dma_start3A_24 : memref<32xf32, #tpu.memory_space<vmem_shared>>) target_semaphore(%run_scoped3A : memref<!tpu.dma_semaphore, #tpu.memory_space<semaphore_mem>>)
        %dma_wait3A = tpu.memref_slice %arg10[%mul3A_16] : memref<512xf32, #tpu.memory_space<vmem_shared>> -> memref<32xf32, #tpu.memory_space<vmem_shared>>
        %dma_wait3A_25 = tpu.memref_slice %arg10[%mul3A_16] : memref<512xf32, #tpu.memory_space<vmem_shared>> -> memref<32xf32, #tpu.memory_space<vmem_shared>>
        tpu.wait_dma2 semaphore(%run_scoped3A : memref<!tpu.dma_semaphore, #tpu.memory_space<semaphore_mem>>) src(%arg6 : memref<32xf32, #tpu.memory_space<vmem>>) dst(%dma_wait3A_25 : memref<32xf32, #tpu.memory_space<vmem_shared>>)
        tpu.yield
      }) : () -> ()
      %mul3A_17 = arith.constant 32 : i32
      %mul3A_18 = arith.muli %arg1, %mul3A_17 : i32
      "tpu.region"() ({
        %run_scoped3A = tpu.sem_alloc : memref<!tpu.dma_semaphore, #tpu.memory_space<semaphore_mem>>
        %dma_start3A = tpu.memref_slice %arg11[%mul3A_18] : memref<512xi32, #tpu.memory_space<vmem_shared>> -> memref<32xi32, #tpu.memory_space<vmem_shared>>
        %dma_start3A_24 = tpu.memref_slice %arg11[%mul3A_18] : memref<512xi32, #tpu.memory_space<vmem_shared>> -> memref<32xi32, #tpu.memory_space<vmem_shared>>
        tpu.enqueue_dma source(%arg7 : memref<32xi32, #tpu.memory_space<vmem>>) target(%dma_start3A_24 : memref<32xi32, #tpu.memory_space<vmem_shared>>) target_semaphore(%run_scoped3A : memref<!tpu.dma_semaphore, #tpu.memory_space<semaphore_mem>>)
        %dma_wait3A = tpu.memref_slice %arg11[%mul3A_18] : memref<512xi32, #tpu.memory_space<vmem_shared>> -> memref<32xi32, #tpu.memory_space<vmem_shared>>
        %dma_wait3A_25 = tpu.memref_slice %arg11[%mul3A_18] : memref<512xi32, #tpu.memory_space<vmem_shared>> -> memref<32xi32, #tpu.memory_space<vmem_shared>>
        tpu.wait_dma2 semaphore(%run_scoped3A : memref<!tpu.dma_semaphore, #tpu.memory_space<semaphore_mem>>) src(%arg7 : memref<32xi32, #tpu.memory_space<vmem>>) dst(%dma_wait3A_25 : memref<32xi32, #tpu.memory_space<vmem_shared>>)
        tpu.yield
      }) : () -> ()
      %barrier3A = arith.constant 0 : index
      tpu.barrier barrier_id(%barrier3A)
      %eq3A_19 = arith.constant 0 : i32
      %eq3A_20 = arith.cmpi eq, %arg1, %eq3A_19 : i32
      %convert_element_type3A_21 = arith.extui %eq3A_20 : i1 to i32
      %cond3A_22 = arith.constant 0 : i32
      %cond3A_23 = arith.cmpi ne, %convert_element_type3A_21, %cond3A_22 : i32
      scf.if %cond3A_23 {
        "tpu.region"() ({
          %run_scoped3A = tpu.sem_alloc : memref<!tpu.dma_semaphore, #tpu.memory_space<semaphore_mem>>
          tpu.enqueue_dma source(%arg10 : memref<512xf32, #tpu.memory_space<vmem_shared>>) target(%arg8 : memref<512xf32, #tpu.memory_space<vmem>>) target_semaphore(%run_scoped3A : memref<!tpu.dma_semaphore, #tpu.memory_space<semaphore_mem>>)
          tpu.wait_dma2 semaphore(%run_scoped3A : memref<!tpu.dma_semaphore, #tpu.memory_space<semaphore_mem>>) src(%arg10 : memref<512xf32, #tpu.memory_space<vmem_shared>>) dst(%arg8 : memref<512xf32, #tpu.memory_space<vmem>>)
          tpu.yield
        }) : () -> ()
        "tpu.region"() ({
          %run_scoped3A = tpu.sem_alloc : memref<!tpu.dma_semaphore, #tpu.memory_space<semaphore_mem>>
          tpu.enqueue_dma source(%arg11 : memref<512xi32, #tpu.memory_space<vmem_shared>>) target(%arg9 : memref<512xi32, #tpu.memory_space<vmem>>) target_semaphore(%run_scoped3A : memref<!tpu.dma_semaphore, #tpu.memory_space<semaphore_mem>>)
          tpu.wait_dma2 semaphore(%run_scoped3A : memref<!tpu.dma_semaphore, #tpu.memory_space<semaphore_mem>>) src(%arg11 : memref<512xi32, #tpu.memory_space<vmem_shared>>) dst(%arg9 : memref<512xi32, #tpu.memory_space<vmem>>)
          tpu.yield
        }) : () -> ()
        %scan3A_24 = arith.constant 0 : i32
        %scan3A_25 = arith.constant 0 : i32
        %scan3A_26 = arith.constant 32 : i32
        %scan3A_27 = arith.addi %scan3A_25, %scan3A_26 : i32
        %scan3A_28 = arith.constant 1 : i32
        %scan3A_29 = scf.for %scan3A_31 = %scan3A_25 to %scan3A_27 step %scan3A_28 iter_args(%scan3A_32 = %scan3A_24) -> (i32)  : i32 {
          %get3A = arith.constant 0 : index
          %get3A_33 = tpu.vector_load %arg8[%get3A] {strides = array<i32>} : memref<512xf32, #tpu.memory_space<vmem>>, vector<16xf32>,
          %scan3A_34 = arith.constant 1 : i32
          %scan3A_35 = arith.constant 31 : i32
          %scan3A_36 = arith.addi %scan3A_34, %scan3A_35 : i32
          %scan3A_37 = arith.constant 1 : i32
          %scan3A_38:2 = scf.for %scan3A_63 = %scan3A_34 to %scan3A_36 step %scan3A_37 iter_args(%scan3A_64 = %get3A_33, %scan3A_65 = %iota3A) -> (vector<16xf32>, vector<16xi32>)  : i32 {
            %mul3A_66 = arith.constant 16 : i32
            %mul3A_67 = arith.muli %scan3A_63, %mul3A_66 : i32
            %get3A_68 = arith.index_cast %mul3A_67 : i32 to index
            %get3A_69 = tpu.vector_load %arg8[%get3A_68] {strides = array<i32>} : memref<512xf32, #tpu.memory_space<vmem>>, vector<16xf32>,
            %mul3A_70 = arith.constant 16 : i32
            %mul3A_71 = arith.muli %scan3A_63, %mul3A_70 : i32
            %add3A_72 = vector.broadcast %mul3A_71 : i32 to vector<16xi32>
            %add3A_73 = arith.addi %add3A_72, %iota3A : vector<16xi32>
            %gt3A = arith.cmpf ogt, %get3A_69, %scan3A_64 : vector<16xf32>
            %select_n3A_74 = arith.select %gt3A, %get3A_69, %scan3A_64 : vector<16xi1>, vector<16xf32>
            %select_n3A_75 = arith.select %gt3A, %add3A_73, %scan3A_65 : vector<16xi1>, vector<16xi32>
            scf.yield %select_n3A_74, %select_n3A_75 : vector<16xf32>, vector<16xi32>
          }
          %scan3A_39 = arith.constant 31 : i32
          %reduce_max3A = arith.constant true
          %reduce_max3A_40 = vector.broadcast %reduce_max3A : i1 to vector<16xi1>
          %reduce_max3A_41 = tpu.scan <max>, %scan3A_38#0 masked %reduce_max3A_40 : vector<16xf32>, vector<16xi1> -> vector<16xf32>
          %reduce_max3A_42 = vector.extract %reduce_max3A_41[15] : f32 from vector<16xf32>
          %eq3A_43 = vector.broadcast %reduce_max3A_42 : f32 to vector<16xf32>
          %eq3A_44 = arith.cmpf oeq, %scan3A_38#0, %eq3A_43 : vector<16xf32>
          %jit3A = arith.constant -1 : i32
          %broadcast_in_dim3A_45 = vector.broadcast %jit3A : i32 to vector<16xi32>
          %select_n3A = arith.select %eq3A_44, %scan3A_38#1, %broadcast_in_dim3A_45 : vector<16xi1>, vector<16xi32>
          %reduce_max3A_46 = arith.constant true
          %reduce_max3A_47 = vector.broadcast %reduce_max3A_46 : i1 to vector<16xi1>
          %reduce_max3A_48 = arith.constant -2147483648 : i32
          %reduce_max3A_49 = vector.broadcast %reduce_max3A_48 : i32 to vector<16xi32>
          %reduce_max3A_50 = arith.xori %select_n3A, %reduce_max3A_49 : vector<16xi32>
          %reduce_max3A_51 = tpu.scan <max>, %reduce_max3A_50 masked %reduce_max3A_47 : vector<16xi32>, vector<16xi1> -> vector<16xi32>
          %reduce_max3A_52 = arith.xori %reduce_max3A_51, %reduce_max3A_49 : vector<16xi32>
          %reduce_max3A_53 = vector.extract %reduce_max3A_52[15] : i32 from vector<16xi32>
          %add3A = vector.broadcast %reduce_max3A_53 : i32 to vector<16xi32>
          %add3A_54 = arith.addi %broadcast_in_dim3A_4, %add3A : vector<16xi32>
          %gather3A = tpu.vector_load_idx %arg9[%add3A_54] : memref<512xi32, #tpu.memory_space<vmem>>[vector<16xi32>], vector<16xi32>,
          %add3A_55 = vector.broadcast %scan3A_31 : i32 to vector<16xi32>
          %add3A_56 = arith.addi %broadcast_in_dim3A_4, %add3A_55 : vector<16xi32>
          %add3A_57 = vector.broadcast %reduce_max3A_42 : f32 to vector<16xf32>
          %add3A_58 = arith.addf %broadcast_in_dim3A_2, %add3A_57 : vector<16xf32>
          tpu.vector_store_idx %arg6[%add3A_56], %add3A_58 masked %eq3A_1 : memref<32xf32, #tpu.memory_space<vmem>>[vector<16xi32>], vector<16xf32>, vector<16xi1>
          tpu.vector_store_idx %arg7[%add3A_56], %gather3A masked %eq3A_1 : memref<32xi32, #tpu.memory_space<vmem>>[vector<16xi32>], vector<16xi32>, vector<16xi1>
          %add3A_59 = arith.constant -3.000000e+38 : f32
          %add3A_60 = vector.broadcast %add3A_59 : f32 to vector<16xf32>
          %add3A_61 = arith.addf %broadcast_in_dim3A_2, %add3A_60 : vector<16xf32>
          tpu.vector_store_idx %arg8[%add3A_54], %add3A_61 masked %eq3A_1 : memref<512xf32, #tpu.memory_space<vmem>>[vector<16xi32>], vector<16xf32>, vector<16xi1>
          %scan3A_62 = arith.constant 0 : i32
          scf.yield %scan3A_62 : i32
        }
        %scan3A_30 = arith.constant 32 : i32
        "tpu.region"() ({
          %run_scoped3A = tpu.sem_alloc : memref<!tpu.dma_semaphore, #tpu.memory_space<semaphore_mem>>
          tpu.enqueue_dma source(%arg7 : memref<32xi32, #tpu.memory_space<vmem>>) target(%arg3 : memref<32xi32, #tpu.memory_space<hbm>>) target_semaphore(%run_scoped3A : memref<!tpu.dma_semaphore, #tpu.memory_space<semaphore_mem>>)
          tpu.wait_dma2 semaphore(%run_scoped3A : memref<!tpu.dma_semaphore, #tpu.memory_space<semaphore_mem>>) src(%arg7 : memref<32xi32, #tpu.memory_space<vmem>>) dst(%arg3 : memref<32xi32, #tpu.memory_space<hbm>>)
          tpu.yield
        }) : () -> ()
        "tpu.region"() ({
          %run_scoped3A = tpu.sem_alloc : memref<!tpu.dma_semaphore, #tpu.memory_space<semaphore_mem>>
          tpu.enqueue_dma source(%arg6 : memref<32xf32, #tpu.memory_space<vmem>>) target(%arg4 : memref<32xf32, #tpu.memory_space<hbm>>) target_semaphore(%run_scoped3A : memref<!tpu.dma_semaphore, #tpu.memory_space<semaphore_mem>>)
          tpu.wait_dma2 semaphore(%run_scoped3A : memref<!tpu.dma_semaphore, #tpu.memory_space<semaphore_mem>>) src(%arg6 : memref<32xf32, #tpu.memory_space<vmem>>) dst(%arg4 : memref<32xf32, #tpu.memory_space<hbm>>)
          tpu.yield
        }) : () -> ()
      } else {
      }
    } else {
    }
    return
  }
}

module attributes {stable_mosaic.version = 14 : i64} {
  func.func @_alpha_body(%arg0: i32, %arg1: memref<2048x1xf32, #tpu.memory_space<vmem>>, %arg2: memref<1024x2048xf32, #tpu.memory_space<vmem>>, %arg3: memref<1024x1xf32, #tpu.memory_space<vmem>>) attributes {dimension_semantics = [#tpu.dimension_semantics<arbitrary>], iteration_bounds = array<i64: 8>, scalar_prefetch = 0 : i64, scratch_operands = 0 : i64, tpu.core_type = #tpu.core_type<tc>, window_params = [{pipeline_mode = #tpu.pipeline_mode<synchronous>, transform_indices = @transform_0, window_bounds = array<i64: 2048, 1>}, {transform_indices = @transform_1, window_bounds = array<i64: 1024, 2048>}, {transform_indices = @transform_2, window_bounds = array<i64: 1024, 1>}]} {
    %get3A = arith.constant 0 : index
    %get3A_0 = arith.constant 0 : index
    %get3A_1 = vector.load %arg2[%get3A, %get3A_0] : memref<1024x2048xf32, #tpu.memory_space<vmem>>, vector<1024x2048xf32>
    %get3A_2 = arith.constant 0 : index
    %get3A_3 = arith.constant 0 : index
    %get3A_4 = vector.load %arg1[%get3A_2, %get3A_3] : memref<2048x1xf32, #tpu.memory_space<vmem>>, vector<2048x1xf32>
    %dot_general3A = arith.constant dense<0.000000e+00> : vector<1024x1xf32>
    %dot_general3A_5 = tpu.matmul %get3A_1, %get3A_4, %dot_general3A {dimension_numbers = #tpu.dot_dimension_numbers<[1], [0], [0], [1], [0, 0, 1, 1], [], []>, transpose_lhs_hint = false} : vector<1024x2048xf32>, vector<2048x1xf32>, vector<1024x1xf32> -> vector<1024x1xf32>
    %swap3A = arith.constant 0 : index
    %swap3A_6 = arith.constant 0 : index
    %swap3A_7 = vector.load %arg3[%swap3A, %swap3A_6] : memref<1024x1xf32, #tpu.memory_space<vmem>>, vector<1024x1xf32>
    tpu.vector_store %arg3[%swap3A, %swap3A_6], %dot_general3A_5 {strides = array<i32>} : memref<1024x1xf32, #tpu.memory_space<vmem>>, vector<1024x1xf32>,
    return
  }
  func.func @transform_0(%arg0: i32) -> (i32, i32) {
    %c0_i32 = arith.constant 0 : i32
    %c0_i32_0 = arith.constant 0 : i32
    %c0_i32_1 = arith.constant 0 : i32
    return %c0_i32, %c0_i32_0 : i32, i32
  }
  func.func @transform_1(%arg0: i32) -> (i32, i32) {
    %c0_i32 = arith.constant 0 : i32
    %c0_i32_0 = arith.constant 0 : i32
    return %arg0, %c0_i32 : i32, i32
  }
  func.func @transform_2(%arg0: i32) -> (i32, i32) {
    %c0_i32 = arith.constant 0 : i32
    %c0_i32_0 = arith.constant 0 : i32
    return %arg0, %c0_i32 : i32, i32
  }
}

module attributes {stable_mosaic.version = 14 : i64} {
  func.func @_matvec_body(%arg0: i32, %arg1: memref<1xi32, #tpu.memory_space<smem>>, %arg2: memref<2048x1xf32, #tpu.memory_space<vmem>>, %arg3: memref<2048x1xf32, #tpu.memory_space<vmem>>, %arg4: memref<384x2048xf32, #tpu.memory_space<vmem>>, %arg5: memref<384x2048xf32, #tpu.memory_space<vmem>>, %arg6: memref<384x1xf32, #tpu.memory_space<vmem>>, %arg7: memref<384x1xf32, #tpu.memory_space<vmem>>) attributes {dimension_semantics = [#tpu.dimension_semantics<arbitrary>], iteration_bounds = array<i64: 16>, scalar_prefetch = 1 : i64, scratch_operands = 0 : i64, tpu.core_type = #tpu.core_type<tc>, window_params = [{pipeline_mode = #tpu.pipeline_mode<synchronous>, transform_indices = @transform_0, window_bounds = array<i64: 2048, 1>}, {pipeline_mode = #tpu.pipeline_mode<synchronous>, transform_indices = @transform_1, window_bounds = array<i64: 2048, 1>}, {transform_indices = @transform_2, window_bounds = array<i64: 384, 2048>}, {transform_indices = @transform_3, window_bounds = array<i64: 384, 2048>}, {transform_indices = @transform_4, window_bounds = array<i64: 384, 1>}, {transform_indices = @transform_5, window_bounds = array<i64: 384, 1>}]} {
    %get3A = arith.constant 0 : index
    %get3A_0 = arith.constant 0 : index
    %get3A_1 = vector.load %arg4[%get3A, %get3A_0] : memref<384x2048xf32, #tpu.memory_space<vmem>>, vector<384x2048xf32>
    %get3A_2 = arith.constant 0 : index
    %get3A_3 = arith.constant 0 : index
    %get3A_4 = vector.load %arg2[%get3A_2, %get3A_3] : memref<2048x1xf32, #tpu.memory_space<vmem>>, vector<2048x1xf32>
    %dot_general3A = arith.constant dense<0.000000e+00> : vector<384x1xf32>
    %dot_general3A_5 = tpu.matmul %get3A_1, %get3A_4, %dot_general3A {dimension_numbers = #tpu.dot_dimension_numbers<[1], [0], [0], [1], [0, 0, 1, 1], [], []>, transpose_lhs_hint = false} : vector<384x2048xf32>, vector<2048x1xf32>, vector<384x1xf32> -> vector<384x1xf32>
    %swap3A = arith.constant 0 : index
    %swap3A_6 = arith.constant 0 : index
    %swap3A_7 = vector.load %arg6[%swap3A, %swap3A_6] : memref<384x1xf32, #tpu.memory_space<vmem>>, vector<384x1xf32>
    tpu.vector_store %arg6[%swap3A, %swap3A_6], %dot_general3A_5 {strides = array<i32>} : memref<384x1xf32, #tpu.memory_space<vmem>>, vector<384x1xf32>,
    %get3A_8 = arith.constant 0 : index
    %get3A_9 = arith.constant 0 : index
    %get3A_10 = vector.load %arg5[%get3A_8, %get3A_9] : memref<384x2048xf32, #tpu.memory_space<vmem>>, vector<384x2048xf32>
    %get3A_11 = arith.constant 0 : index
    %get3A_12 = arith.constant 0 : index
    %get3A_13 = vector.load %arg3[%get3A_11, %get3A_12] : memref<2048x1xf32, #tpu.memory_space<vmem>>, vector<2048x1xf32>
    %dot_general3A_14 = arith.constant dense<0.000000e+00> : vector<384x1xf32>
    %dot_general3A_15 = tpu.matmul %get3A_10, %get3A_13, %dot_general3A_14 {dimension_numbers = #tpu.dot_dimension_numbers<[1], [0], [0], [1], [0, 0, 1, 1], [], []>, transpose_lhs_hint = false} : vector<384x2048xf32>, vector<2048x1xf32>, vector<384x1xf32> -> vector<384x1xf32>
    %swap3A_16 = arith.constant 0 : index
    %swap3A_17 = arith.constant 0 : index
    %swap3A_18 = vector.load %arg7[%swap3A_16, %swap3A_17] : memref<384x1xf32, #tpu.memory_space<vmem>>, vector<384x1xf32>
    tpu.vector_store %arg7[%swap3A_16, %swap3A_17], %dot_general3A_15 {strides = array<i32>} : memref<384x1xf32, #tpu.memory_space<vmem>>, vector<384x1xf32>,
    return
  }
  func.func @transform_0(%arg0: i32, %arg1: memref<1xi32, #tpu.memory_space<smem>>) -> (i32, i32) {
    %c0_i32 = arith.constant 0 : i32
    %c0_i32_0 = arith.constant 0 : i32
    %c0_i32_1 = arith.constant 0 : i32
    return %c0_i32, %c0_i32_0 : i32, i32
  }
  func.func @transform_1(%arg0: i32, %arg1: memref<1xi32, #tpu.memory_space<smem>>) -> (i32, i32) {
    %c0_i32 = arith.constant 0 : i32
    %c0_i32_0 = arith.constant 0 : i32
    %c0_i32_1 = arith.constant 0 : i32
    return %c0_i32, %c0_i32_0 : i32, i32
  }
  func.func @transform_2(%arg0: i32, %arg1: memref<1xi32, #tpu.memory_space<smem>>) -> (i32, i32) {
    %get3A = arith.constant 0 : index
    %get3A_0 = memref.load %arg1[%get3A] : memref<1xi32, #tpu.memory_space<smem>>
    %c0_i32 = arith.constant 0 : i32
    return %arg0, %get3A_0 : i32, i32
  }
  func.func @transform_3(%arg0: i32, %arg1: memref<1xi32, #tpu.memory_space<smem>>) -> (i32, i32) {
    %c0_i32 = arith.constant 0 : i32
    %c0_i32_0 = arith.constant 0 : i32
    return %arg0, %c0_i32 : i32, i32
  }
  func.func @transform_4(%arg0: i32, %arg1: memref<1xi32, #tpu.memory_space<smem>>) -> (i32, i32) {
    %c0_i32 = arith.constant 0 : i32
    %c0_i32_0 = arith.constant 0 : i32
    return %arg0, %c0_i32 : i32, i32
  }
  func.func @transform_5(%arg0: i32, %arg1: memref<1xi32, #tpu.memory_space<smem>>) -> (i32, i32) {
    %c0_i32 = arith.constant 0 : i32
    %c0_i32_0 = arith.constant 0 : i32
    return %arg0, %c0_i32 : i32, i32
  }
}

module attributes {stable_mosaic.version = 14 : i64} {
  func.func @_final_body(%arg0: i32, %arg1: memref<32xi32, #tpu.memory_space<smem>>, %arg2: memref<1x32xf32, #tpu.memory_space<vmem>>, %arg3: memref<1x1x2048xf32, #tpu.memory_space<vmem>>, %arg4: memref<1x2048xf32, #tpu.memory_space<vmem>>, %arg5: memref<2x2048xf32, #tpu.memory_space<vmem>>, %arg6: memref<1x1xf32, #tpu.memory_space<vmem>>, %arg7: memref<48x128xf32, #tpu.memory_space<vmem>>, %arg8: memref<48x128xf32, #tpu.memory_space<vmem>>, %arg9: memref<16x128xf32, #tpu.memory_space<vmem>>, %arg10: memref<48x128xf32, #tpu.memory_space<vmem>>, %arg11: memref<48x128xf32, #tpu.memory_space<vmem>>, %arg12: memref<1x1xf32, #tpu.memory_space<vmem>>, %arg13: memref<16x128xf32, #tpu.memory_space<vmem>>, %arg14: memref<1x2048xf32, #tpu.memory_space<vmem>>, %arg15: memref<1x32xf32, #tpu.memory_space<vmem>>) attributes {dimension_semantics = [#tpu.dimension_semantics<arbitrary>], iteration_bounds = array<i64: 32>, scalar_prefetch = 1 : i64, scratch_operands = 2 : i64, tpu.core_type = #tpu.core_type<tc>, window_params = [{pipeline_mode = #tpu.pipeline_mode<synchronous>, transform_indices = @transform_0, window_bounds = array<i64: 1, 32>}, {transform_indices = @transform_1, window_bounds = array<i64: 1, 1, 2048>}, {pipeline_mode = #tpu.pipeline_mode<synchronous>, transform_indices = @transform_2, window_bounds = array<i64: 1, 2048>}, {pipeline_mode = #tpu.pipeline_mode<synchronous>, transform_indices = @transform_3, window_bounds = array<i64: 2, 2048>}, {pipeline_mode = #tpu.pipeline_mode<synchronous>, transform_indices = @transform_4, window_bounds = array<i64: 1, 1>}, {pipeline_mode = #tpu.pipeline_mode<synchronous>, transform_indices = @transform_5, window_bounds = array<i64: 48, 128>}, {pipeline_mode = #tpu.pipeline_mode<synchronous>, transform_indices = @transform_6, window_bounds = array<i64: 48, 128>}, {pipeline_mode = #tpu.pipeline_mode<synchronous>, transform_indices = @transform_7, window_bounds = array<i64: 16, 128>}, {pipeline_mode = #tpu.pipeline_mode<synchronous>, transform_indices = @transform_8, window_bounds = array<i64: 48, 128>}, {pipeline_mode = #tpu.pipeline_mode<synchronous>, transform_indices = @transform_9, window_bounds = array<i64: 48, 128>}, {pipeline_mode = #tpu.pipeline_mode<synchronous>, transform_indices = @transform_10, window_bounds = array<i64: 1, 1>}, {pipeline_mode = #tpu.pipeline_mode<synchronous>, transform_indices = @transform_11, window_bounds = array<i64: 16, 128>}]} {
    %eq3A = arith.constant 0 : i32
    %eq3A_0 = arith.cmpi eq, %arg0, %eq3A : i32
    %convert_element_type3A = arith.extui %eq3A_0 : i1 to i32
    %cond3A = arith.constant 0 : i32
    %cond3A_1 = arith.cmpi ne, %convert_element_type3A, %cond3A : i32
    scf.if %cond3A_1 {
      %get3A_26 = arith.constant 0 : index
      %get3A_27 = arith.constant 0 : index
      %get3A_28 = vector.load %arg2[%get3A_26, %get3A_27] : memref<1x32xf32, #tpu.memory_space<vmem>>, vector<1x32xf32>
      %reduce_max3A = vector.shape_cast %get3A_28 : vector<1x32xf32> to vector<1x1x32xf32>
      %reduce_max3A_29 = arith.constant dense<0xFF800000> : vector<1xf32>
      %reduce_max3A_30 = vector.multi_reduction <maximumf>, %reduce_max3A, %reduce_max3A_29 [1, 2] : vector<1x1x32xf32> to vector<1xf32>
      %reduce_max3A_31 = vector.shape_cast %reduce_max3A_30 : vector<1xf32> to vector<1x1x1xf32>
      %reduce_max3A_32 = vector.extract %reduce_max3A_31[0, 0, 0] : f32 from vector<1x1x1xf32>
      %sub3A = vector.broadcast %reduce_max3A_32 : f32 to vector<1x32xf32>
      %sub3A_33 = arith.subf %get3A_28, %sub3A : vector<1x32xf32>
      %exp3A = math.exp %sub3A_33 : vector<1x32xf32>
      %reduce_sum3A_34 = vector.shape_cast %exp3A : vector<1x32xf32> to vector<1x1x32xf32>
      %reduce_sum3A_35 = arith.constant dense<0.000000e+00> : vector<1xf32>
      %reduce_sum3A_36 = vector.multi_reduction <add>, %reduce_sum3A_34, %reduce_sum3A_35 [1, 2] : vector<1x1x32xf32> to vector<1xf32>
      %reduce_sum3A_37 = vector.shape_cast %reduce_sum3A_36 : vector<1xf32> to vector<1x1x1xf32>
      %reduce_sum3A_38 = vector.extract %reduce_sum3A_37[0, 0, 0] : f32 from vector<1x1x1xf32>
      %div3A = vector.broadcast %reduce_sum3A_38 : f32 to vector<1x32xf32>
      %div3A_39 = arith.divf %exp3A, %div3A : vector<1x32xf32>
      %swap3A_40 = arith.constant 0 : index
      %swap3A_41 = arith.constant 0 : index
      %swap3A_42 = vector.load %arg15[%swap3A_40, %swap3A_41] : memref<1x32xf32, #tpu.memory_space<vmem>>, vector<1x32xf32>
      tpu.vector_store %arg15[%swap3A_40, %swap3A_41], %div3A_39 {strides = array<i32>} : memref<1x32xf32, #tpu.memory_space<vmem>>, vector<1x32xf32>,
      %broadcast_in_dim3A_43 = arith.constant 0.000000e+00 : f32
      %broadcast_in_dim3A_44 = vector.broadcast %broadcast_in_dim3A_43 : f32 to vector<1x2048xf32>
      %swap3A_45 = arith.constant 0 : index
      %swap3A_46 = arith.constant 0 : index
      %swap3A_47 = vector.load %arg14[%swap3A_45, %swap3A_46] : memref<1x2048xf32, #tpu.memory_space<vmem>>, vector<1x2048xf32>
      tpu.vector_store %arg14[%swap3A_45, %swap3A_46], %broadcast_in_dim3A_44 {strides = array<i32>} : memref<1x2048xf32, #tpu.memory_space<vmem>>, vector<1x2048xf32>,
    } else {
    }
    %iota3A = tpu.iota {dimensions = array<i32: 1>} : vector<1x32xi32>
    %eq3A_2 = vector.broadcast %arg0 : i32 to vector<1x32xi32>
    %eq3A_3 = arith.cmpi eq, %iota3A, %eq3A_2 : vector<1x32xi32>
    %get3A = arith.constant 0 : index
    %get3A_4 = arith.constant 0 : index
    %get3A_5 = vector.load %arg15[%get3A, %get3A_4] : memref<1x32xf32, #tpu.memory_space<vmem>>, vector<1x32xf32>
    %jit3A = arith.constant 0.000000e+00 : f32
    %broadcast_in_dim3A = vector.broadcast %jit3A : f32 to vector<1x32xf32>
    %select_n3A = arith.select %eq3A_3, %get3A_5, %broadcast_in_dim3A : vector<1x32xi1>, vector<1x32xf32>
    %reduce_sum3A = vector.shape_cast %select_n3A : vector<1x32xf32> to vector<1x1x32xf32>
    %reduce_sum3A_6 = arith.constant dense<0.000000e+00> : vector<1xf32>
    %reduce_sum3A_7 = vector.multi_reduction <add>, %reduce_sum3A, %reduce_sum3A_6 [1, 2] : vector<1x1x32xf32> to vector<1xf32>
    %reduce_sum3A_8 = vector.shape_cast %reduce_sum3A_7 : vector<1xf32> to vector<1x1x1xf32>
    %reduce_sum3A_9 = vector.extract %reduce_sum3A_8[0, 0, 0] : f32 from vector<1x1x1xf32>
    %get3A_10 = arith.constant 0 : index
    %get3A_11 = arith.constant 0 : index
    %get3A_12 = vector.load %arg14[%get3A_10, %get3A_11] : memref<1x2048xf32, #tpu.memory_space<vmem>>, vector<1x2048xf32>
    %get3A_13 = arith.constant 0 : index
    %get3A_14 = arith.constant 0 : index
    %get3A_15 = arith.constant 0 : index
    %get3A_16 = vector.load %arg3[%get3A_13, %get3A_14, %get3A_15] : memref<1x1x2048xf32, #tpu.memory_space<vmem>>, vector<1x1x2048xf32>
    %get3A_17 = vector.shape_cast %get3A_16 : vector<1x1x2048xf32> to vector<1x2048xf32>
    %mul3A = vector.broadcast %reduce_sum3A_9 : f32 to vector<1x2048xf32>
    %mul3A_18 = arith.mulf %mul3A, %get3A_17 : vector<1x2048xf32>
    %add3A = arith.addf %get3A_12, %mul3A_18 : vector<1x2048xf32>
    %swap3A = arith.constant 0 : index
    %swap3A_19 = arith.constant 0 : index
    %swap3A_20 = vector.load %arg14[%swap3A, %swap3A_19] : memref<1x2048xf32, #tpu.memory_space<vmem>>, vector<1x2048xf32>
    tpu.vector_store %arg14[%swap3A, %swap3A_19], %add3A {strides = array<i32>} : memref<1x2048xf32, #tpu.memory_space<vmem>>, vector<1x2048xf32>,
    %eq3A_21 = arith.constant 31 : i32
    %eq3A_22 = arith.cmpi eq, %arg0, %eq3A_21 : i32
    %convert_element_type3A_23 = arith.extui %eq3A_22 : i1 to i32
    %cond3A_24 = arith.constant 0 : i32
    %cond3A_25 = arith.cmpi ne, %convert_element_type3A_23, %cond3A_24 : i32
    scf.if %cond3A_25 {
      %get3A_26 = arith.constant 0 : index
      %get3A_27 = arith.constant 0 : index
      %get3A_28 = vector.load %arg5[%get3A_26, %get3A_27] : memref<2x2048xf32, #tpu.memory_space<vmem>>, vector<2x2048xf32>
      %slice3A = vector.extract_strided_slice %get3A_28 {offsets = [0, 0], sizes = [1, 2048], strides = [1, 1]} : vector<2x2048xf32> to vector<1x2048xf32>
      %get3A_29 = arith.constant 0 : index
      %get3A_30 = arith.constant 0 : index
      %get3A_31 = vector.load %arg4[%get3A_29, %get3A_30] : memref<1x2048xf32, #tpu.memory_space<vmem>>, vector<1x2048xf32>
      %mul3A_32 = arith.mulf %slice3A, %get3A_31 : vector<1x2048xf32>
      %reduce_sum3A_33 = vector.shape_cast %mul3A_32 : vector<1x2048xf32> to vector<1x1x2048xf32>
      %reduce_sum3A_34 = arith.constant dense<0.000000e+00> : vector<1xf32>
      %reduce_sum3A_35 = vector.multi_reduction <add>, %reduce_sum3A_33, %reduce_sum3A_34 [1, 2] : vector<1x1x2048xf32> to vector<1xf32>
      %reduce_sum3A_36 = vector.shape_cast %reduce_sum3A_35 : vector<1xf32> to vector<1x1x1xf32>
      %reduce_sum3A_37 = vector.extract %reduce_sum3A_36[0, 0, 0] : f32 from vector<1x1x1xf32>
      %slice3A_38 = vector.extract_strided_slice %get3A_28 {offsets = [1, 0], sizes = [1, 2048], strides = [1, 1]} : vector<2x2048xf32> to vector<1x2048xf32>
      %get3A_39 = arith.constant 0 : index
      %get3A_40 = arith.constant 0 : index
      %get3A_41 = vector.load %arg14[%get3A_39, %get3A_40] : memref<1x2048xf32, #tpu.memory_space<vmem>>, vector<1x2048xf32>
      %mul3A_42 = arith.mulf %slice3A_38, %get3A_41 : vector<1x2048xf32>
      %reduce_sum3A_43 = vector.shape_cast %mul3A_42 : vector<1x2048xf32> to vector<1x1x2048xf32>
      %reduce_sum3A_44 = arith.constant dense<0.000000e+00> : vector<1xf32>
      %reduce_sum3A_45 = vector.multi_reduction <add>, %reduce_sum3A_43, %reduce_sum3A_44 [1, 2] : vector<1x1x2048xf32> to vector<1xf32>
      %reduce_sum3A_46 = vector.shape_cast %reduce_sum3A_45 : vector<1xf32> to vector<1x1x1xf32>
      %reduce_sum3A_47 = vector.extract %reduce_sum3A_46[0, 0, 0] : f32 from vector<1x1x1xf32>
      %add3A_48 = arith.addf %reduce_sum3A_37, %reduce_sum3A_47 : f32
      %get3A_49 = arith.constant 0 : index
      %get3A_50 = arith.constant 0 : index
      %get3A_51 = vector.load %arg6[%get3A_49, %get3A_50] : memref<1x1xf32, #tpu.memory_space<vmem>>, vector<1x1xf32>
      %get3A_52 = vector.extract %get3A_51[0, 0] : f32 from vector<1x1xf32>
      %add3A_53 = arith.addf %add3A_48, %get3A_52 : f32
      %broadcast_in_dim3A_54 = vector.broadcast %add3A_53 : f32 to vector<1x1xf32>
      %swap3A_55 = arith.constant 0 : index
      %swap3A_56 = arith.constant 0 : index
      %swap3A_57 = vector.load %arg12[%swap3A_55, %swap3A_56] : memref<1x1xf32, #tpu.memory_space<vmem>>, vector<1x1xf32>
      tpu.vector_store %arg12[%swap3A_55, %swap3A_56], %broadcast_in_dim3A_54 {strides = array<i32>} : memref<1x1xf32, #tpu.memory_space<vmem>>, vector<1x1xf32>,
      %get3A_58 = arith.constant 0 : index
      %get3A_59 = arith.constant 0 : index
      %get3A_60 = vector.load %arg7[%get3A_58, %get3A_59] : memref<48x128xf32, #tpu.memory_space<vmem>>, vector<48x128xf32>
      %get3A_61 = arith.constant 0 : index
      %get3A_62 = arith.constant 0 : index
      %get3A_63 = vector.load %arg10[%get3A_61, %get3A_62] : memref<48x128xf32, #tpu.memory_space<vmem>>, vector<48x128xf32>
      %add3A_64 = arith.addf %get3A_60, %get3A_63 : vector<48x128xf32>
      %get3A_65 = arith.constant 0 : index
      %get3A_66 = arith.constant 0 : index
      %get3A_67 = vector.load %arg8[%get3A_65, %get3A_66] : memref<48x128xf32, #tpu.memory_space<vmem>>, vector<48x128xf32>
      %get3A_68 = arith.constant 0 : index
      %get3A_69 = arith.constant 0 : index
      %get3A_70 = vector.load %arg11[%get3A_68, %get3A_69] : memref<48x128xf32, #tpu.memory_space<vmem>>, vector<48x128xf32>
      %add3A_71 = arith.addf %get3A_67, %get3A_70 : vector<48x128xf32>
      %get3A_72 = arith.constant 0 : index
      %get3A_73 = arith.constant 0 : index
      %get3A_74 = vector.load %arg9[%get3A_72, %get3A_73] : memref<16x128xf32, #tpu.memory_space<vmem>>, vector<16x128xf32>
      %slice3A_75 = vector.extract_strided_slice %add3A_64 {offsets = [0, 0], sizes = [16, 128], strides = [1, 1]} : vector<48x128xf32> to vector<16x128xf32>
      %slice3A_76 = vector.extract_strided_slice %add3A_71 {offsets = [0, 0], sizes = [16, 128], strides = [1, 1]} : vector<48x128xf32> to vector<16x128xf32>
      %add3A_77 = arith.addf %slice3A_75, %slice3A_76 : vector<16x128xf32>
      %logistic3A = arith.negf %add3A_77 : vector<16x128xf32>
      %logistic3A_78 = math.exp %logistic3A : vector<16x128xf32>
      %logistic3A_79 = arith.constant 1.000000e+00 : f32
      %logistic3A_80 = vector.broadcast %logistic3A_79 : f32 to vector<16x128xf32>
      %logistic3A_81 = arith.addf %logistic3A_80, %logistic3A_78 : vector<16x128xf32>
      %logistic3A_82 = arith.divf %logistic3A_80, %logistic3A_81 : vector<16x128xf32>
      %slice3A_83 = vector.extract_strided_slice %add3A_64 {offsets = [16, 0], sizes = [16, 128], strides = [1, 1]} : vector<48x128xf32> to vector<16x128xf32>
      %slice3A_84 = vector.extract_strided_slice %add3A_71 {offsets = [16, 0], sizes = [16, 128], strides = [1, 1]} : vector<48x128xf32> to vector<16x128xf32>
      %add3A_85 = arith.addf %slice3A_83, %slice3A_84 : vector<16x128xf32>
      %logistic3A_86 = arith.negf %add3A_85 : vector<16x128xf32>
      %logistic3A_87 = math.exp %logistic3A_86 : vector<16x128xf32>
      %logistic3A_88 = arith.constant 1.000000e+00 : f32
      %logistic3A_89 = vector.broadcast %logistic3A_88 : f32 to vector<16x128xf32>
      %logistic3A_90 = arith.addf %logistic3A_89, %logistic3A_87 : vector<16x128xf32>
      %logistic3A_91 = arith.divf %logistic3A_89, %logistic3A_90 : vector<16x128xf32>
      %slice3A_92 = vector.extract_strided_slice %add3A_64 {offsets = [32, 0], sizes = [16, 128], strides = [1, 1]} : vector<48x128xf32> to vector<16x128xf32>
      %slice3A_93 = vector.extract_strided_slice %add3A_71 {offsets = [32, 0], sizes = [16, 128], strides = [1, 1]} : vector<48x128xf32> to vector<16x128xf32>
      %mul3A_94 = arith.mulf %logistic3A_82, %slice3A_93 : vector<16x128xf32>
      %add3A_95 = arith.addf %slice3A_92, %mul3A_94 : vector<16x128xf32>
      %tanh3A = math.tanh %add3A_95 : vector<16x128xf32>
      %sub3A = arith.constant 1.000000e+00 : f32
      %sub3A_96 = vector.broadcast %sub3A : f32 to vector<16x128xf32>
      %sub3A_97 = arith.subf %sub3A_96, %logistic3A_91 : vector<16x128xf32>
      %mul3A_98 = arith.mulf %sub3A_97, %tanh3A : vector<16x128xf32>
      %mul3A_99 = arith.mulf %logistic3A_91, %get3A_74 : vector<16x128xf32>
      %add3A_100 = arith.addf %mul3A_98, %mul3A_99 : vector<16x128xf32>
      %swap3A_101 = arith.constant 0 : index
      %swap3A_102 = arith.constant 0 : index
      %swap3A_103 = vector.load %arg13[%swap3A_101, %swap3A_102] : memref<16x128xf32, #tpu.memory_space<vmem>>, vector<16x128xf32>
      tpu.vector_store %arg13[%swap3A_101, %swap3A_102], %add3A_100 {strides = array<i32>} : memref<16x128xf32, #tpu.memory_space<vmem>>, vector<16x128xf32>,
    } else {
    }
    return
  }
  func.func @transform_0(%arg0: i32, %arg1: memref<32xi32, #tpu.memory_space<smem>>) -> (i32, i32) {
    %c0_i32 = arith.constant 0 : i32
    %c0_i32_0 = arith.constant 0 : i32
    %c0_i32_1 = arith.constant 0 : i32
    return %c0_i32, %c0_i32_0 : i32, i32
  }
  func.func @transform_1(%arg0: i32, %arg1: memref<32xi32, #tpu.memory_space<smem>>) -> (i32, i32, i32) {
    %get3A = arith.index_cast %arg0 : i32 to index
    %get3A_0 = memref.load %arg1[%get3A] : memref<32xi32, #tpu.memory_space<smem>>
    %c0_i32 = arith.constant 0 : i32
    %c0_i32_1 = arith.constant 0 : i32
    %c0_i32_2 = arith.constant 0 : i32
    return %get3A_0, %c0_i32, %c0_i32_1 : i32, i32, i32
  }
  func.func @transform_2(%arg0: i32, %arg1: memref<32xi32, #tpu.memory_space<smem>>) -> (i32, i32) {
    %c0_i32 = arith.constant 0 : i32
    %c0_i32_0 = arith.constant 0 : i32
    %c0_i32_1 = arith.constant 0 : i32
    return %c0_i32, %c0_i32_0 : i32, i32
  }
  func.func @transform_3(%arg0: i32, %arg1: memref<32xi32, #tpu.memory_space<smem>>) -> (i32, i32) {
    %c0_i32 = arith.constant 0 : i32
    %c0_i32_0 = arith.constant 0 : i32
    %c0_i32_1 = arith.constant 0 : i32
    return %c0_i32, %c0_i32_0 : i32, i32
  }
  func.func @transform_4(%arg0: i32, %arg1: memref<32xi32, #tpu.memory_space<smem>>) -> (i32, i32) {
    %c0_i32 = arith.constant 0 : i32
    %c0_i32_0 = arith.constant 0 : i32
    %c0_i32_1 = arith.constant 0 : i32
    return %c0_i32, %c0_i32_0 : i32, i32
  }
  func.func @transform_5(%arg0: i32, %arg1: memref<32xi32, #tpu.memory_space<smem>>) -> (i32, i32) {
    %c0_i32 = arith.constant 0 : i32
    %c0_i32_0 = arith.constant 0 : i32
    %c0_i32_1 = arith.constant 0 : i32
    return %c0_i32, %c0_i32_0 : i32, i32
  }
  func.func @transform_6(%arg0: i32, %arg1: memref<32xi32, #tpu.memory_space<smem>>) -> (i32, i32) {
    %c0_i32 = arith.constant 0 : i32
    %c0_i32_0 = arith.constant 0 : i32
    %c0_i32_1 = arith.constant 0 : i32
    return %c0_i32, %c0_i32_0 : i32, i32
  }
  func.func @transform_7(%arg0: i32, %arg1: memref<32xi32, #tpu.memory_space<smem>>) -> (i32, i32) {
    %c0_i32 = arith.constant 0 : i32
    %c0_i32_0 = arith.constant 0 : i32
    %c0_i32_1 = arith.constant 0 : i32
    return %c0_i32, %c0_i32_0 : i32, i32
  }
  func.func @transform_8(%arg0: i32, %arg1: memref<32xi32, #tpu.memory_space<smem>>) -> (i32, i32) {
    %c0_i32 = arith.constant 0 : i32
    %c0_i32_0 = arith.constant 0 : i32
    %c0_i32_1 = arith.constant 0 : i32
    return %c0_i32, %c0_i32_0 : i32, i32
  }
  func.func @transform_9(%arg0: i32, %arg1: memref<32xi32, #tpu.memory_space<smem>>) -> (i32, i32) {
    %c0_i32 = arith.constant 0 : i32
    %c0_i32_0 = arith.constant 0 : i32
    %c0_i32_1 = arith.constant 0 : i32
    return %c0_i32, %c0_i32_0 : i32, i32
  }
  func.func @transform_10(%arg0: i32, %arg1: memref<32xi32, #tpu.memory_space<smem>>) -> (i32, i32) {
    %c0_i32 = arith.constant 0 : i32
    %c0_i32_0 = arith.constant 0 : i32
    %c0_i32_1 = arith.constant 0 : i32
    return %c0_i32, %c0_i32_0 : i32, i32
  }
  func.func @transform_11(%arg0: i32, %arg1: memref<32xi32, #tpu.memory_space<smem>>) -> (i32, i32) {
    %c0_i32 = arith.constant 0 : i32
    %c0_i32_0 = arith.constant 0 : i32
    %c0_i32_1 = arith.constant 0 : i32
    return %c0_i32, %c0_i32_0 : i32, i32
  }
}

</mosaic_0001>

<sc_bundles>
// kernel: kernel.6.cloned.1.call-start
scs
__scs_entry_jumppad:
0x0: {  	(pc) =	sbr.rel $0x88, $3  }
0x1: {  	(tag) =	ssettag $0x0;
	lr =	simm.s32 $0x1  }
0x2: {  	[smem:$0x3F97] =	sst lr;
	_ =	strace $0xD0000000  }
0x3: {  	_ = 	snop  }
0x4: {  	_ = 	snop  }
0x5: {  	_ = 	snop  }
0x6: {  	_ = 	snop  }
0x7: {  	_ = 	snop  }
__scs_overlays_trampoline_lowered:
0x8: {  	[smem:$0x3FA6] =	sst s0  }
0x9: {  	[smem:$0x3FA7] =	sst s1  }
0xa: {  	[smem:$0x3FA8] =	sst s2  }
0xb: {  	[smem:$0x3FA9] =	sst s3  }
0xc: {  	[smem:$0x3FAA] =	sst s4  }
0xd: {  	[smem:$0x3FAB] =	sst s5  }
0xe: {  	[smem:$0x3FAC] =	sst s6  }
0xf: {  	[smem:$0x3FAD] =	sst s7  }
0x10: {  	[smem:$0x3FAE] =	sst s8  }
0x11: {  	[smem:$0x3FAF] =	sst s9;
	s0 =	simm.s32 @!p0 $0x0  }
0x12: {  	s1 =	sld [smem:$0x3F95];
	s0 =	simm.s32 @p0 $0x1  }
0x13: {  	[smem:$0x3FB0] =	sst s0;
	s0 =	simm.s32 @!p1 $0x0  }
0x14: {  	s2 =	sld [smem:$0x3F94];
	s0 =	simm.s32 @p1 $0x1  }
0x15: {  	[smem:$0x3FB1] =	sst s0;
	s0 =	simm.s32 @!p2 $0x0  }
0x16: {  	s3 =	sld [smem:$0x3FDB];
	s0 =	simm.s32 @p2 $0x1  }
0x17: {  	s4 =	simm.s32 $0x1BF5;
	[smem:$0x3FB3] =	sst s0  }
0x18: {  	s0 =	sld [smem:$0x3F96];
	_ =	swait.ge [sflag:s4], $0x0  }
0x19: {  	s7 =	sld [smem:$0x3F97]  }
0x1a: {  	s8 =	sadd.s32 $0xFFFFE003, lr  }
0x1b: {  	s9 =	sadd.s32 $0xFFFFFEF7, lr;
	s5 =	simm.s32 $0xFFFFFFFF;
	p2 =	slt.u32 s8, $0xFFFFF086  }
0x1c: {  	p1 =	slt.u32 s9, $0xF7A;
	s5 =	simm.s32 @!p2 $0x0  }
0x1d: {  	s5 =	simm.s32 @p1 $0x1;
	p0 =	seq.s32 s7, s2  }
0x1e: {  	s7 =	smul.u32 @!p0 $0xF7A, s2;
	p2 =	seq.s32 @!p0 s5, $0x0  }
0x1f: {  	s9 =	smul.u32 $0xF7A, s1;
	s8 =	simm.s32 @!p0 $0x1BF5;
	p2 =	por !p2, p0  }
0x20: {  	[sflag:s8] =	ssyncset.s32 @!p0 $0xFFFFF086;
	s6 =	sadd.s32 @!p0 s3, s7;
	s7 =	simm.s32 @!p0 $0x108  }
0x21: {  	s3 =	sadd.s32 s3, s9;
	s6 =	sadd.s32 @!p0 $0x88, s6;
	s7 =	simm.s32 @p2 $0x1082  }
0x22: {  	[simem:s7], [sflag:s8] =	dma.local @!p0 [hbm:s6], $0xF7A  }
0x23: {  	s9 =	sor.u32 $0xD0000000, s2;
	s6 =	simm.s32 $0x108;
	_ =	swait.ge @!p0 [sflag:s8], $0x0  }
0x24: {  	s3 =	sadd.s32 $0x88, s3;
	s6 =	simm.s32 @!p1 $0x1082;
	[sflag:s4] =	ssyncset.s32 $0xFFFFF086  }
0x25: {  	[simem:s6], [sflag:s4] =	dma.local [hbm:s3], $0xF7A  }
0x26: {  	[smem:$0x3F97] =	sst s1;
	(tag) =	ssettag s2;
	_ =	strace s9  }
0x27: {  	s1 =	sld [smem:$0x3FA7]  }
0x28: {  	s2 =	sld [smem:$0x3FA8]  }
0x29: {  	s4 =	sld [smem:$0x3FAA]  }
0x2a: {  	p0 =	seq.s32 s5, $0x0;
	s5 =	sld [smem:$0x3FAB]  }
0x2b: {  	s6 =	sld [smem:$0x3FAC]  }
0x2c: {  	s7 =	sld [smem:$0x3FAD]  }
0x2d: {  	s3 =	simm.s32 $0x108;
	s8 =	sld [smem:$0x3FAE]  }
0x2e: {  	s3 =	simm.s32 @!p0 $0x1082;
	s9 =	sld [smem:$0x3FAF]  }
0x2f: {  	lr =	sadd.s32 s0, s3;
	s0 =	sld [smem:$0x3FA6]  }
0x30: {  	s3 =	sld [smem:$0x3FA9]  }
0x31: {  	[smem:$0x3FB2] =	sst s10  }
0x32: {  	s10 =	sld [smem:$0x3FB0];
	_ =	sdelay $0x3  }
0x33: {  	p0 =	seq.s32 s10, $0x1;
	s10 =	sld [smem:$0x3FB2];
	_ =	sdelay $0x3  }
0x34: {  	[smem:$0x3FB2] =	sst s10  }
0x35: {  	s10 =	sld [smem:$0x3FB1];
	_ =	sdelay $0x3  }
0x36: {  	p1 =	seq.s32 s10, $0x1;
	s10 =	sld [smem:$0x3FB2];
	_ =	sdelay $0x3  }
0x37: {  	[smem:$0x3FB2] =	sst s10  }
0x38: {  	s10 =	sld [smem:$0x3FB3]  }
0x39: {  	_ = 	snop;
	(pc) =	sbr.ind lr, $3  }
0x3a: {  	_ = 	snop  }
0x3b: {  	_ = 	snop  }
0x3c: {  	p2 =	seq.s32 s10, $0x1;
	s10 =	sld [smem:$0x3FB2]  }
0x3d: {  	_ =	shalt  }
0x3e: {  	_ =	shalt  }
0x3f: {  	_ =	shalt  }
0x40: {  	_ =	shalt  }
0x41: {  	_ =	shalt  }
0x42: {  	_ =	shalt  }
0x43: {  	_ =	shalt  }
0x44: {  	_ =	shalt  }
0x45: {  	_ =	shalt  }
0x46: {  	_ =	shalt  }
0x47: {  	_ =	shalt  }
0x48: {  	_ =	shalt  }
0x49: {  	_ =	shalt  }
0x4a: {  	_ =	shalt  }
0x4b: {  	_ =	shalt  }
0x4c: {  	_ =	shalt  }
0x4d: {  	_ =	shalt  }
0x4e: {  	_ =	shalt  }
0x4f: {  	_ =	shalt  }
0x50: {  	_ =	shalt  }
0x51: {  	_ =	shalt  }
0x52: {  	_ =	shalt  }
0x53: {  	_ =	shalt  }
0x54: {  	_ =	shalt  }
0x55: {  	_ =	shalt  }
0x56: {  	_ =	shalt  }
0x57: {  	_ =	shalt  }
0x58: {  	_ =	shalt  }
0x59: {  	_ =	shalt  }
0x5a: {  	_ =	shalt  }
0x5b: {  	_ =	shalt  }
0x5c: {  	_ =	shalt  }
0x5d: {  	_ =	shalt  }
0x5e: {  	_ =	shalt  }
0x5f: {  	_ =	shalt  }
0x60: {  	_ =	shalt  }
0x61: {  	_ =	shalt  }
0x62: {  	_ =	shalt  }
0x63: {  	_ =	shalt  }
0x64: {  	_ =	shalt  }
0x65: {  	_ =	shalt  }
0x66: {  	_ =	shalt  }
0x67: {  	_ =	shalt  }
0x68: {  	_ =	shalt  }
0x69: {  	_ =	shalt  }
0x6a: {  	_ =	shalt  }
0x6b: {  	_ =	shalt  }
0x6c: {  	_ =	shalt  }
0x6d: {  	_ =	shalt  }
0x6e: {  	_ =	shalt  }
0x6f: {  	_ =	shalt  }
0x70: {  	_ =	shalt  }
0x71: {  	_ =	shalt  }
0x72: {  	_ =	shalt  }
0x73: {  	_ =	shalt  }
0x74: {  	_ =	shalt  }
0x75: {  	_ =	shalt  }
0x76: {  	_ =	shalt  }
0x77: {  	_ =	shalt  }
0x78: {  	_ =	shalt  }
0x79: {  	_ =	shalt  }
0x7a: {  	_ =	shalt  }
0x7b: {  	_ =	shalt  }
0x7c: {  	_ =	shalt  }
0x7d: {  	_ =	shalt  }
0x7e: {  	_ =	shalt  }
0x7f: {  	_ =	shalt  }
0x80: {  	_ =	shalt  }
0x81: {  	_ =	shalt  }
0x82: {  	_ =	shalt  }
0x83: {  	_ =	shalt  }
0x84: {  	_ =	shalt  }
0x85: {  	_ =	shalt  }
0x86: {  	_ =	shalt  }
0x87: {  	_ =	shalt  }
.Lfunc_end0:
.L_simem_size_0:
called_computation_lowered:
.L_overlay_start_0:
0x88: {  	s2 =	sld [smem:$0x3FD9]  }
0x89: {  	s3 =	sld [smem:$0x3FFE];
	_ =	sdelay $0x1  }
0x8a: {  	s1 =	srdreg.scid  }
0x8b: {  	s0 =	sand.u32 $0x1, s1  }
0x8c: {  	s14 =	sshll.u32 s0, $0xA;
	s2 =	sadd.s32 s3, s2  }
0x8d: {  	s2 =	sadd.s32 s2, s14  }
0x8e: {  	[smem:$0x3FBE] =	sst s2  }
0x8f: {  	_ = 	snop  }
0x90: {  	s2 =	sld [smem:$0x3FD0];
	_ =	sdelay $0x2  }
0x91: {  	s15 =	simm.s32 $0xA;
	s4 =	simm.s32 $0x10  }
0x92: {  	[smem:s4], [sflag:s15] =	dma.local [hbm:s2], $0x1  }
0x93: {  	_ =	swait.eq [sflag:s15], $0x1  }
0x94: {  	[sflag:s15] =	ssyncset.done $0x0  }
0x95: {  	[sflag:s15] =	ssyncadd.s32 $0xFFFFFFFF  }
0x96: {  	s16 =	sld [smem:$0x11];
	(tm) =	ssettm $0x1  }
0x97: {  	s17 =	sld [smem:$0x3FFB];
	_ =	sdelay $0x3  }
0x98: {  	_ =	strace s17  }
0x99: {  	s3 =	sld [smem:$0x3FFC];
	_ =	sdelay $0x3  }
0x9a: {  	_ =	strace s3  }
0x9b: {  	s3 =	sld [smem:$0x3FFD];
	_ =	sdelay $0x3  }
0x9c: {  	_ =	strace s3  }
0x9d: {  	_ =	strace $0x8FFFFFFF  }
0x9e: {  	s18 =	sld [smem:$0x3FDB];
	_ =	sdelay $0x1  }
0x9f: {  	s19 =	simm.s32 $_scs_section_size  }
0xa0: {  	s5 =	simm.s32 $_size__tile_overlayer_lowered;
	s6 =	simm.s32 $_tile_overlayer_lowered  }
0xa1: {  	s22 =	simm.s32 $0x1BFF;
	s21 =	sshll.u32 s6, $0x1;
	s3 =	sadd.s32 s19, s18  }
0xa2: {  	s7 =	simm.s32 $0x0;
	s20 =	sshll.u32 s5, $0x1;
	s5 =	sadd.s32 s21, s3  }
0xa3: {  	[timem:s7], [sflag:s22] =	dma.local [hbm:s5], s20  }
0xa4: {  	_ =	swait.ge [sflag:s22], s20  }
0xa5: {  	s4 =	ssub.s32 $0x0, s20;
	[sflag:s22] =	ssyncset.done $0x0  }
0xa6: {  	[sflag:s22] =	ssyncadd.s32 s4;
	_ =	sdelay $0x1  }
0xa7: {  	s23 =	simm.s32 $0x1B8B  }
0xa8: {  	_ =	swait.ge [sflag:s23], $0x1  }
0xa9: {  	[sflag:s23] =	ssyncset.done $0x0  }
0xaa: {  	s25 =	simm.s32 $0x1B8E;
	s24 =	sld [smem:$0x3FFE];
	[sflag:s23] =	ssyncadd.s32 $0xFFFFFFFF  }
0xab: {  	s26 =	simm.s32 $execute0_lowered;
	[smem:$0x3FD2] =	sst s25  }
0xac: {  	s5 =	sshll.u32 s26, $0x1;
	_ =	strace $0x80000046;
	[dreg:$0x1] =	wrdreg $0xFFFFFFFF  }
0xad: {  	s28 =	simm.s32 $_size_execute0_lowered;
	s3 =	sadd.s32 s3, s5;
	[dreg:$0x0] =	wrdreg $0x0  }
0xae: {  	s5 =	sshll.u32 s28, $0x1;
	[dreg:$0x2] =	wrdreg s3  }
0xaf: {  	[dreg:$0x3] =	wrdreg s5  }
0xb0: {  	[dreg:$0x4] =	wrdreg $0xC0  }
0xb1: {  	_ =	task [dreg:s7], $0x5FFFF  }
0xb2: {  	[dreg:$0x1] =	wrdreg $0xFFFFFFFF  }
0xb3: {  	[dreg:$0x0] =	wrdreg $0x60  }
0xb4: {  	[dreg:$0x2] =	wrdreg s24  }
0xb5: {  	[dreg:$0x3] =	wrdreg s16  }
0xb6: {  	[dreg:$0x4] =	wrdreg $0x6400  }
0xb7: {  	[dreg:$0x5] =	wrdreg $0x6600  }
0xb8: {  	[dreg:$0x6] =	wrdreg $0x9  }
0xb9: {  	_ =	task.clear_ibuf [dreg:s7], $0x7FFFF;
	_ =	strace $0x90000046  }
0xba: {  	s29 =	simm.s32 $0x9;
	_ =	strace $0x80000048  }
0xbb: {  	_ =	swait.ge [sflag:s29], $0x1  }
0xbc: {  	[sflag:s29] =	ssyncadd.s32 $0xFFFFFFFF  }
0xbd: {  	_ =	strace $0x90000048  }
0xbe: {  	_ =	sfence  }
0xbf: {  	s30 =	sld [smem:$0x0];
	_ =	sdelay $0x2  }
0xc0: {  	s31 =	sshll.u32 s1, $0xD;
	s1 =	sshrl.u32 s1, $0x2  }
0xc1: {  	s3 =	sand.u32 $0x4000, s31;
	s1 =	sadd.s32 s1, s30  }
0xc2: {  	s0 =	sor.u32 s3, s0;
	s1 =	sshll.u32 s1, $0x11  }
0xc3: {  	s0 =	sor.u32 s1, s0  }
0xc4: {  	s0 =	sadd.s32 $0x8F2B, s0  }
0xc5: {  	[sflag:s0] =	ssyncadd.remote.s32 $0x1  }
0xc6: {  	_ =	sfence.sel $0xFFFF  }
0xc7: {  	[dreg:$0x0] =	wrdreg $0xFFFFFFFF;
	(pc) =	sbr.abs _section_cstart, $3  }
0xc8: {  	[dreg:$0x1] =	wrdreg $0xFFFFFFFF  }
0xc9: {  	_ =	task.clear_ibuf [dreg:s7], $0x2FFFF;
	_ =	strace $0x9FFFFFFF  }
0xca: {  	(tm) =	ssettm $0x7FFFFFFF  }
0xcb: {  	_ =	shalt  }
tec
execute0_lowered:
.L_overlay_start_1:
0x0: {  	(tag) =	ssettag $0x1  }
0x1: {  	s1 =	srdreg.scid  }
0x2: {  	s1 =	sand.u32 $0x1, s1  }
0x3: {  	s3 =	rddreg [dreg:$0x0];
	p0 =	seq.s32 s1, $0x1  }
.Ltmp0:
0x4: {  	s2 =	rddreg [dreg:$0x1];
	(pc) =	sbr.rel @p0 .LBB2_11-.Ltmp0, $4  }
0x5: {  	s5 =	rddreg [dreg:$0x2]  }
0x6: {  	s4 =	rddreg [dreg:$0x3];
	s6 =	simm.s32 $0x0  }
0x7: {  	[smem:$0x7FF] =	sst s6  }
0x8: {  	s0 =	rddreg [dreg:$0x4];
	_ =	strace $0x80000047;
	s1 =	stileid.u32  }
0x9: {  	s7 =	sadd.s32 $0x400, s3  }
0xa: {  	s8 =	sshll.u32 s1, $0x6;
	s10 =	simm.s32 $0x1;
	s3 =	sadd.s32 $0x800, s3  }
0xb: {  	s31 =	sshll.u32 s1, $0x5;
	s9 =	sshll.u32 s1, $0x9;
	s7 =	sadd.s32 s7, s8  }
0xc: {  	[tilespmem:s6], [sflag:$0x1] =	stream.linear.gather [hbm4b:s7+s6], $0x200, $0x38;
	[tilespmem:$0x680] =	vst v63  }
0xd: {  	s11 =	simm.s32 $0x200;
	s12 =	simm.s32 $0x220;
	_ =	swait.ge [sflag:s10], $0x200  }
0xe: {  	v0 =	vlaneseq.u32;
	s13 =	simm.s32 $0x0;
	s8 =	sadd.s32 s31, s4;
	[sflag:s10] =	ssyncset.done $0x0  }
0xf: {  	v2 =	vimm.f32 $-3.000000010e+38;
	v1 =	vor.u32 s9, v0;
	s7 =	sadd.s32 s31, s5;
	[sflag:s10] =	ssyncadd.s32 $0xFFFFFE00;
	s10 =	sadd.s32 $0x10, s9  }
.LBB2_2:
0x10: {  	v3 =	vld [tilespmem:$0x0];
	s14 =	simm.s32 $0x10  }
0x11: {  	v5 =	vld [tilespmem:s14+$0x0];
	_ =	sdelay $0x3  }
0x12: {  	s15 =	simm.s32 $0x80;
	v4 =	vmov v1;
	s14 =	smov.u32 s10  }
.LBB2_3:
0x13: {  	s16 =	sshra.s32 s15, $0x2;
	p0 =	sne.s32 s15, $0x7C0;
	s15 =	sadd.s32 $0x40, s15;
	v6 =	vor.u32 s14, v0;
	vm0 =	vgt.f32 v5, v3  }
.Ltmp1:
0x14: {  	v3 =	vsel vm0, v5, v3;
	v5 =	vld [tilespmem:s16+$0x0];
	v4 =	vsel vm0, v6, v4;
	(pc) =	sbr.rel @p0 .LBB2_3-.Ltmp1, $2  }
0x15: {  	_ =	sdelay $0x2  }
0x16: {  	s14 =	sadd.s32 $0x10, s14  }
0x17: {  	vm0 =	vgt.f32 v5, v3  }
0x18: {  	v3 =	vsel vm0, v5, v3  }
0x19: {  	(xrf0) =	vmax.scan.msk.f32 $0xffff, v3;
	_ =	sdelay $0x5  }
0x1a: {  	v61, _, _ =	vpop (xrf0)  }
0x1b: {  	v6 =	vor.u32 s14, v0;
	v5 =	vbroadcast v61, $0xF  }
0x1c: {  	v4 =	vsel vm0, v6, v4  }
0x1d: {  	vm15 =	veq.f32 v3, v5;
	v3 =	vxor.u32 $0x80000000, v4  }
0x1e: {  	v3 =	vnsel vm15, $0x7FFFFFFF, v3  }
0x1f: {  	(xrf0) =	vmax.scan.msk.u32 $0xffff, v3;
	_ =	sdelay $0x5  }
0x20: {  	v3, _, _ =	vpop (xrf0)  }
0x21: {  	(v2sf) =	vpush v3, $0xF;
	_ =	sdelay $0xe  }
0x22: {  	s31 =	spop (v2sf)  }
0x23: {  	v3 =	vmov s13;
	s14 =	sxor.u32 $0x80000000, s31  }
0x24: {  	s13 =	sadd.s32 $0x1, s13;
	s15 =	ssub.s32 s14, s9  }
0x25: {  	p0 =	sne.s32 s13, $0x20;
	v62 =	vmov s15  }
.Ltmp2:
0x26: {  	v5 =	vadd.f32 $0.0e+00, v5;
	(pc) =	sbr.rel @p0 .LBB2_2-.Ltmp2, $4  }
0x27: {  	_ = 	snop  }
0x28: {  	[tilespmem:v3+s11+$0x0] =	vst.idx.msk $0x1, v5;
	v63 =	vmov s14  }
0x29: {  	[tilespmem:v3+s12+$0x0] =	vst.idx.msk $0x1, v63  }
0x2a: {  	[tilespmem:v62+s6+$0x0] =	vst.idx.msk $0x1, v2  }
0x2b: {  	s6 =	simm.s32 $0x200;
	s9 =	simm.s32 $0x1  }
0x2c: {  	[spmem:s7] =	stream.linear.scatter [tilespmem:s6], [sflag:$0x1], $0x20, $0x38;
	[tilespmem:$0x680] =	vst v63  }
0x2d: {  	_ =	swait.ge [sflag:s9], $0x20  }
0x2e: {  	[sflag:s9] =	ssyncset.done $0x0  }
0x2f: {  	p0 =	sne.s32 s1, $0x0;
	s7 =	simm.s32 $0x220;
	[sflag:s9] =	ssyncadd.s32 $0xFFFFFFE0  }
0x30: {  	[spmem:s8] =	stream.linear.scatter [tilespmem:s7], [sflag:$0x1], $0x20, $0x38;
	[tilespmem:$0x680] =	vst v63  }
.Ltmp3:
0x31: {  	_ =	swait.ge [sflag:s9], $0x20;
	(pc) =	sbr.rel @p0 .LBB2_11-.Ltmp3, $3  }
0x32: {  	[sflag:s9] =	ssyncset.done $0x0  }
0x33: {  	[sflag:s9] =	ssyncadd.s32 $0xFFFFFFE0  }
0x34: {  	[bflag:$0x0] =	sbarrier.arrive $0xFFFF;
	_ =	sdelay $0x1  }
0x35: {  	s8 =	simm.s32 $0x240  }
0x36: {  	[tilespmem:s8], [sflag:$0x1] =	stream.linear.gather [spmem:s5], $0x200, $0x38;
	[tilespmem:$0x680] =	vst v63  }
0x37: {  	_ =	swait.ge [sflag:s9], $0x200  }
0x38: {  	[sflag:s9] =	ssyncset.done $0x0  }
0x39: {  	s5 =	simm.s32 $0x440;
	[sflag:s9] =	ssyncadd.s32 $0xFFFFFE00  }
0x3a: {  	[tilespmem:s5], [sflag:$0x1] =	stream.linear.gather [spmem:s4], $0x200, $0x38;
	[tilespmem:$0x680] =	vst v63  }
0x3b: {  	_ =	swait.ge [sflag:s9], $0x200  }
0x3c: {  	[sflag:s9] =	ssyncset.done $0x0  }
0x3d: {  	v0 =	vlaneseq.u32;
	v1 =	vimm.f32 $-3.000000010e+38;
	s4 =	simm.s32 $0x0;
	[sflag:s9] =	ssyncadd.s32 $0xFFFFFE00  }
.LBB2_7:
0x3e: {  	s9 =	simm.s32 $0x250;
	v2 =	vld [tilespmem:$0x240]  }
0x3f: {  	v3 =	vld [tilespmem:s9+$0x0];
	_ =	sdelay $0x3  }
0x40: {  	s10 =	simm.s32 $0x10  }
0x41: {  	v4 =	vlaneseq.u32;
	s9 =	simm.s32 $0x20;
	v5 =	vor.u32 s10, v0;
	s10 =	simm.s32 $0x260;
	vm0 =	vgt.f32 v3, v2  }
.LBB2_8:
0x42: {  	p0 =	sne.s32 s9, $0x1F0;
	v2 =	vsel vm0, v3, v2;
	v3 =	vld [tilespmem:s10+$0x0];
	v4 =	vsel vm0, v5, v4;
	s11 =	smov.u32 s9;
	s9 =	sadd.s32 $0x10, s9  }
.Ltmp4:
0x43: {  	(pc) =	sbr.rel @p0 .LBB2_8-.Ltmp4, $2  }
0x44: {  	_ =	sdelay $0x2  }
0x45: {  	s10 =	sadd.s32 $0x10, s10;
	v5 =	vor.u32 s11, v0;
	vm0 =	vgt.f32 v3, v2  }
0x46: {  	v2 =	vsel vm0, v3, v2  }
0x47: {  	(xrf0) =	vmax.scan.msk.f32 $0xffff, v2;
	_ =	sdelay $0x5  }
0x48: {  	v3, _, _ =	vpop (xrf0)  }
0x49: {  	v3 =	vbroadcast v3, $0xF  }
0x4a: {  	v4 =	vsel vm0, v5, v4  }
0x4b: {  	vm15 =	veq.f32 v2, v3;
	v2 =	vxor.u32 $0x80000000, v4  }
0x4c: {  	v2 =	vnsel vm15, $0x7FFFFFFF, v2  }
0x4d: {  	(xrf0) =	vmax.scan.msk.u32 $0xffff, v2;
	_ =	sdelay $0x5  }
0x4e: {  	v2, _, _ =	vpop (xrf0)  }
0x4f: {  	(v2sf) =	vpush v2, $0xF;
	_ =	sdelay $0xe  }
0x50: {  	s9 =	spop (v2sf)  }
0x51: {  	s9 =	sxor.u32 $0x80000000, s9  }
0x52: {  	v2 =	vmov s9;
	_ =	sdelay $0x3  }
0x53: {  	v62 =	vmov s4  }
0x54: {  	s4 =	sadd.s32 $0x1, s4;
	v63 =	vld.idx.msk [tilespmem:v2+s5+$0x0], $0xffff  }
0x55: {  	p0 =	sne.s32 s4, $0x20  }
.Ltmp5:
0x56: {  	v3 =	vadd.f32 $0.0e+00, v3;
	(pc) =	sbr.rel @p0 .LBB2_7-.Ltmp5, $4  }
0x57: {  	_ = 	snop  }
0x58: {  	[tilespmem:v62+s6+$0x0] =	vst.idx.msk $0x1, v3  }
0x59: {  	[tilespmem:v62+s7+$0x0] =	vst.idx.msk $0x1, v63  }
0x5a: {  	[tilespmem:v2+s8+$0x0] =	vst.idx.msk $0x1, v1  }
0x5b: {  	s4 =	simm.s32 $0x0;
	s5 =	simm.s32 $0x220;
	s30 =	simm.s32 $0x1  }
0x5c: {  	[hbm4b:s2+s4] =	stream.linear.scatter [tilespmem:s5], [sflag:$0x1], $0x20, $0x38;
	[tilespmem:$0x680] =	vst v63  }
0x5d: {  	_ =	swait.ge [sflag:s30], $0x20  }
0x5e: {  	[sflag:s30] =	ssyncset.done $0x0  }
0x5f: {  	s31 =	simm.s32 $0x200;
	[sflag:s30] =	ssyncadd.s32 $0xFFFFFFE0  }
0x60: {  	[hbm4b:s3+s4] =	stream.linear.scatter [tilespmem:s31], [sflag:$0x1], $0x20, $0x38;
	[tilespmem:$0x680] =	vst v63  }
0x61: {  	_ =	swait.ge [sflag:s30], $0x20  }
0x62: {  	[sflag:s30] =	ssyncset.done $0x0  }
0x63: {  	[sflag:s30] =	ssyncadd.s32 $0xFFFFFFE0  }
.LBB2_11:
0x64: {  	_ =	sfence.sel $0x180000  }
0x65: {  	[bflag:$0x0] =	sbarrier.arrive $0xFFFF  }
0x66: {  	p0 =	sne.s32 s1, $0x0;
	_ =	strace $0x90000047  }
0x67: {  	s0 =	sadd.s32 @!p0 $0x100000, s0;
	[bflag:$0x2] =	sbarrier.arrive $0xFFFF  }
0x68: {  	[sflag:s0] =	ssyncadd.tile.s32 @!p0 $0x1;
	_ =	shalt  }
.Lfunc_end2:
_tile_overlayer_lowered:
.L_overlay_start_2:
0x69: {  	(tag) =	ssettag $0x2  }
0x6a: {  	s0 =	rddreg [dreg:$0x0];
	s2 =	stileid.u32  }
0x6b: {  	s1 =	rddreg [dreg:$0x1];
	p0 =	sne.s32 s2, $0x0  }
0x6c: {  	s3 =	rddreg [dreg:$0x2];
	[bflag:$0x3] =	sbarrier.arrive $0xFFFF;
	s2 =	simm.s32 @!p0 $0x1C01  }
0x6d: {  	[timem:s3], [sflag:s2] =	dma.local @!p0 [hbm:s0], s1  }
0x6e: {  	s0 =	simm.s32 @!p0 $0x1  }
0x6f: {  	_ =	swait.ge @!p0 [sflag:s0], s1  }
0x70: {  	s1 =	ssub.s32 @!p0 $0x0, s1;
	[sflag:s0] =	ssyncset.done @!p0 $0x0  }
0x71: {  	[sflag:s0] =	ssyncadd.s32 @!p0 s1  }
0x72: {  	[bflag:$0x3] =	sbarrier.arrive $0xFFFF  }
0x73: {  	_ =	shalt  }

</sc_bundles>
